<compile_context>
chip_gen: v7x
topology: tpu7x:2x2x1
jax: 0.10.2.dev20260603
libtpu: 0.0.44.dev20260713+nightly
codegen_flags: <defaults>
</compile_context>

<pallas_src>
import functools

import jax
import jax.numpy as jnp
from jax import lax
from jax.experimental import pallas as pl
from jax.experimental.pallas import tpu as pltpu
from jax.experimental.pallas import tpu_sc as plsc

_TABLE_SIZE = 256
_X_RANGE = 3.0
_NUM_WORKERS = 32
_ROWS = 8
_CHUNK_COLS = 2048
_LANES = 16


def _tec_body(x_hbm, t_hbm, d_hbm, out_hbm, t_v, d_v, in_v, out_v,
              sem_in0, sem_in1, sem_out0, sem_out1,
              *, col_span, n_chunks):
    wid = lax.axis_index("s") * 2 + lax.axis_index("c")
    row0 = (wid // 4) * _ROWS
    col0 = (wid % 4) * col_span
    sems_in = (sem_in0, sem_in1)
    sems_out = (sem_out0, sem_out1)

    scale = jnp.float32((_TABLE_SIZE - 1) / (2.0 * _X_RANGE))
    shift = jnp.float32((_TABLE_SIZE - 1) / 2.0)

    def fetch(c, b):
        pltpu.async_copy(
            x_hbm.at[pl.ds(row0, _ROWS),
                     pl.ds(col0 + c * _CHUNK_COLS, _CHUNK_COLS)],
            in_v.at[b], sems_in[b])

    fetch(0, 0)
    fetch(1, 1)
    tab_copy = pltpu.make_async_copy(t_hbm, t_v, sems_out[0])
    tab_copy.start()
    dtab_copy = pltpu.make_async_copy(d_hbm, d_v, sems_out[1])
    dtab_copy.start()
    tab_copy.wait()
    dtab_copy.wait()

    n_vecs = _ROWS * _CHUNK_COLS // _LANES
    vecs_per_row = _CHUNK_COLS // _LANES

    def pair_body(p, carry):
        for b in range(2):
            c = p * 2 + b
            pltpu.make_async_copy(
                x_hbm.at[pl.ds(0, _ROWS), pl.ds(0, _CHUNK_COLS)],
                in_v.at[b], sems_in[b]).wait()
            @pl.when(p > 0)
            def _():
                pltpu.make_async_copy(
                    out_v.at[b],
                    out_hbm.at[pl.ds(0, _ROWS), pl.ds(0, _CHUNK_COLS)],
                    sems_out[b]).wait()

            @plsc.parallel_loop(0, n_vecs, unroll=8)
            def _(i):
                r = i // vecs_per_row
                j = i % vecs_per_row
                xv = in_v[b, r, pl.ds(j * _LANES, _LANES)]
                idx = jnp.minimum(
                    jnp.maximum(xv * scale + shift, 0.0),
                    jnp.float32(_TABLE_SIZE - 1))
                i0 = idx.astype(jnp.int32)
                va = plsc.load_gather(t_v, [i0])
                vb = plsc.load_gather(d_v, [i0])
                out_v[b, r, pl.ds(j * _LANES, _LANES)] = va + idx * vb

            pltpu.async_copy(
                out_v.at[b],
                out_hbm.at[pl.ds(row0, _ROWS),
                           pl.ds(col0 + c * _CHUNK_COLS, _CHUNK_COLS)],
                sems_out[b])

            @pl.when(c + 2 < n_chunks)
            def _():
                fetch(c + 2, b)
        return carry

    lax.fori_loop(0, n_chunks // 2, pair_body, 0)

    for b in range(2):
        pltpu.make_async_copy(
            out_v.at[b], out_hbm.at[pl.ds(0, _ROWS), pl.ds(0, _CHUNK_COLS)],
            sems_out[b]).wait()


def kernel(x, table):
    n_rows, n_cols = x.shape
    assert n_rows % _ROWS == 0
    row_groups = n_rows // _ROWS
    col_splits = _NUM_WORKERS // row_groups
    col_span = n_cols // col_splits
    n_chunks = col_span // _CHUNK_COLS
    assert col_span * col_splits == n_cols
    assert n_chunks * _CHUNK_COLS == col_span and n_chunks % 2 == 0

    dtable = jnp.concatenate(
        [table[1:] - table[:-1], jnp.zeros((1,), jnp.float32)])
    atable = table - jnp.arange(_TABLE_SIZE, dtype=jnp.float32) * dtable

    mesh = plsc.VectorSubcoreMesh(core_axis_name="c", subcore_axis_name="s")
    body = functools.partial(_tec_body, col_span=col_span, n_chunks=n_chunks)
    out = pl.kernel(
        body,
        mesh=mesh,
        compiler_params=pltpu.CompilerParams(needs_layout_passes=False),
        out_type=jax.ShapeDtypeStruct((n_rows, n_cols), jnp.float32),
        scratch_types=[
            pltpu.VMEM((_TABLE_SIZE,), jnp.float32),
            pltpu.VMEM((_TABLE_SIZE,), jnp.float32),
            pltpu.VMEM((2, _ROWS, _CHUNK_COLS), jnp.float32),
            pltpu.VMEM((2, _ROWS, _CHUNK_COLS), jnp.float32),
            pltpu.SemaphoreType.DMA,
            pltpu.SemaphoreType.DMA,
            pltpu.SemaphoreType.DMA,
            pltpu.SemaphoreType.DMA,
        ],
    )(x, atable, dtable)
    return out

# --- scband reference (transcript-rebuilt; emitter-appended) ---
"""Pipeline reference for scband-lutwaveshaper-3384434229472 (READ-ONLY COPY).

The authoritative reference and input builder live on the scoring server;
editing this copy changes nothing except your own understanding.
"""

import jax, jax.numpy as jnp
import numpy as np

TABLE_SIZE = 256
X_RANGE = 3.0

def setup_inputs(seed: int = 0) -> dict:
    key = jax.random.key(seed)
    x = jax.random.normal(key, (64, 262144), dtype=jnp.float32)
    table = jnp.linspace(-1.0, 1.0, TABLE_SIZE, dtype=jnp.float32)
    return {"x": x, "table": table}

def reference(x, table):
    xi = (jnp.clip(x, -X_RANGE, X_RANGE) + X_RANGE) / (2.0 * X_RANGE)
    idx = xi * (TABLE_SIZE - 1)
    idx0 = jnp.clip(jnp.floor(idx).astype(jnp.int32), 0, TABLE_SIZE - 2)
    frac = idx - idx0.astype(jnp.float32)
    v0 = jnp.take(table, idx0, axis=0)
    v1 = jnp.take(table, idx0 + 1, axis=0)
    return v0 + frac * (v1 - v0)

if __name__ == "__main__":
    import jax
    _d = setup_inputs()
    print(jax.jit(kernel)(*tuple(_d.values())))

</pallas_src>

<mosaic_0001>
#map = affine_map<(d0, d1) -> (0, 0)>
#map1 = affine_map<(d0, d1) -> (0)>
module attributes {stable_mosaic.version = 14 : i64} {
  func.func @_tec_body(%arg0: i32, %arg1: i32, %arg2: memref<64x262144xf32, #tpu.memory_space<hbm>>, %arg3: memref<256xf32, #tpu.memory_space<hbm>>, %arg4: memref<256xf32, #tpu.memory_space<hbm>>, %arg5: memref<64x262144xf32, #tpu.memory_space<hbm>>, %arg6: memref<256xf32, #tpu.memory_space<vmem>>, %arg7: memref<256xf32, #tpu.memory_space<vmem>>, %arg8: memref<2x8x2048xf32, #tpu.memory_space<vmem>>, %arg9: memref<2x8x2048xf32, #tpu.memory_space<vmem>>, %arg10: memref<!tpu.dma_semaphore, #tpu.memory_space<semaphore_mem>>, %arg11: memref<!tpu.dma_semaphore, #tpu.memory_space<semaphore_mem>>, %arg12: memref<!tpu.dma_semaphore, #tpu.memory_space<semaphore_mem>>, %arg13: memref<!tpu.dma_semaphore, #tpu.memory_space<semaphore_mem>>) attributes {dimension_semantics = [#tpu.dimension_semantics<core_parallel>, #tpu.dimension_semantics<subcore_parallel>], iteration_bounds = array<i64: 2, 16>, scalar_prefetch = 0 : i64, scratch_operands = 8 : i64, tpu.core_type = #tpu.core_type<sc_vector_subcore>, window_params = [{transform_indices = #map}, {transform_indices = #map1}, {transform_indices = #map1}, {transform_indices = #map}]} {
    %mul3A = arith.constant 2 : i32
    %mul3A_0 = arith.muli %arg1, %mul3A : i32
    %add3A = arith.addi %mul3A_0, %arg0 : i32
    %jit3A = arith.constant 4 : i32
    %div3A = arith.divsi %add3A, %jit3A : i32
    %sign3A = arith.constant 0 : i32
    %sign3A_1 = arith.cmpi sgt, %add3A, %sign3A : i32
    %sign3A_2 = arith.extui %sign3A_1 : i1 to i32
    %sign3A_3 = arith.constant 0 : i32
    %sign3A_4 = arith.cmpi slt, %add3A, %sign3A_3 : i32
    %sign3A_5 = arith.extui %sign3A_4 : i1 to i32
    %sign3A_6 = arith.subi %sign3A_2, %sign3A_5 : i32
    %sign3A_7 = arith.constant 0 : i32
    %sign3A_8 = arith.cmpi sgt, %jit3A, %sign3A_7 : i32
    %sign3A_9 = arith.extui %sign3A_8 : i1 to i32
    %sign3A_10 = arith.constant 0 : i32
    %sign3A_11 = arith.cmpi slt, %jit3A, %sign3A_10 : i32
    %sign3A_12 = arith.extui %sign3A_11 : i1 to i32
    %sign3A_13 = arith.subi %sign3A_9, %sign3A_12 : i32
    %ne3A = arith.cmpi ne, %sign3A_6, %sign3A_13 : i32
    %rem3A = arith.remsi %add3A, %jit3A : i32
    %ne3A_14 = arith.constant 0 : i32
    %ne3A_15 = arith.cmpi ne, %rem3A, %ne3A_14 : i32
    %and3A = arith.andi %ne3A, %ne3A_15 : i1
    %sub3A = arith.constant 1 : i32
    %sub3A_16 = arith.subi %div3A, %sub3A : i32
    %select_n3A = arith.select %and3A, %sub3A_16, %div3A : i32
    %mul3A_17 = arith.constant 8 : i32
    %mul3A_18 = arith.muli %select_n3A, %mul3A_17 : i32
    %jit3A_19 = arith.constant 4 : i32
    %eq3A = arith.constant 0 : i32
    %eq3A_20 = arith.cmpi eq, %jit3A_19, %eq3A : i32
    %jit3A_21 = arith.constant 1 : i32
    %select_n3A_22 = arith.select %eq3A_20, %jit3A_21, %jit3A_19 : i32
    %rem3A_23 = arith.remsi %add3A, %select_n3A_22 : i32
    %ne3A_24 = arith.constant 0 : i32
    %ne3A_25 = arith.cmpi ne, %rem3A_23, %ne3A_24 : i32
    %lt3A = arith.constant 0 : i32
    %lt3A_26 = arith.cmpi slt, %rem3A_23, %lt3A : i32
    %lt3A_27 = arith.constant 0 : i32
    %lt3A_28 = arith.cmpi slt, %select_n3A_22, %lt3A_27 : i32
    %ne3A_29 = arith.xori %lt3A_26, %lt3A_28 : i1
    %and3A_30 = arith.andi %ne3A_29, %ne3A_25 : i1
    %add3A_31 = arith.addi %rem3A_23, %select_n3A_22 : i32
    %select_n3A_32 = arith.select %and3A_30, %add3A_31, %rem3A_23 : i32
    %mul3A_33 = arith.constant 65536 : i32
    %mul3A_34 = arith.muli %select_n3A_32, %mul3A_33 : i32
    %add3A_35 = arith.constant 0 : i32
    %add3A_36 = arith.addi %mul3A_34, %add3A_35 : i32
    %dma_start3A = arith.constant 0 : i32
    %dma_start3A_37 = arith.constant 0 : i32
    %dma_start3A_38 = arith.constant 0 : i32
    %dma_start3A_39 = tpu.memref_slice %arg8[%dma_start3A, %dma_start3A_37, %dma_start3A_38] : memref<2x8x2048xf32, #tpu.memory_space<vmem>> -> memref<1x8x2048xf32, #tpu.memory_space<vmem>>
    %dma_start3A_40 = tpu.memref_squeeze %dma_start3A_39 : memref<1x8x2048xf32, #tpu.memory_space<vmem>> -> memref<8x2048xf32, #tpu.memory_space<vmem>>
    %dma_start3A_41 = tpu.memref_slice %arg2[%mul3A_18, %add3A_36] : memref<64x262144xf32, #tpu.memory_space<hbm>> -> memref<8x2048xf32, #tpu.memory_space<hbm>>
    %dma_start3A_42 = arith.constant 0 : i32
    %dma_start3A_43 = arith.constant 0 : i32
    %dma_start3A_44 = tpu.memref_slice %arg8[%dma_start3A, %dma_start3A_42, %dma_start3A_43] : memref<2x8x2048xf32, #tpu.memory_space<vmem>> -> memref<1x8x2048xf32, #tpu.memory_space<vmem>>
    %dma_start3A_45 = tpu.memref_squeeze %dma_start3A_44 : memref<1x8x2048xf32, #tpu.memory_space<vmem>> -> memref<8x2048xf32, #tpu.memory_space<vmem>>
    %dma_start3A_46 = tpu.memref_slice %arg2[%mul3A_18, %add3A_36] : memref<64x262144xf32, #tpu.memory_space<hbm>> -> memref<8x2048xf32, #tpu.memory_space<hbm>>
    tpu.enqueue_dma source(%dma_start3A_46 : memref<8x2048xf32, #tpu.memory_space<hbm>>) target(%dma_start3A_45 : memref<8x2048xf32, #tpu.memory_space<vmem>>) target_semaphore(%arg10 : memref<!tpu.dma_semaphore, #tpu.memory_space<semaphore_mem>>)
    %add3A_47 = arith.constant 2048 : i32
    %add3A_48 = arith.addi %mul3A_34, %add3A_47 : i32
    %dma_start3A_49 = arith.constant 1 : i32
    %dma_start3A_50 = arith.constant 0 : i32
    %dma_start3A_51 = arith.constant 0 : i32
    %dma_start3A_52 = tpu.memref_slice %arg8[%dma_start3A_49, %dma_start3A_50, %dma_start3A_51] : memref<2x8x2048xf32, #tpu.memory_space<vmem>> -> memref<1x8x2048xf32, #tpu.memory_space<vmem>>
    %dma_start3A_53 = tpu.memref_squeeze %dma_start3A_52 : memref<1x8x2048xf32, #tpu.memory_space<vmem>> -> memref<8x2048xf32, #tpu.memory_space<vmem>>
    %dma_start3A_54 = tpu.memref_slice %arg2[%mul3A_18, %add3A_48] : memref<64x262144xf32, #tpu.memory_space<hbm>> -> memref<8x2048xf32, #tpu.memory_space<hbm>>
    %dma_start3A_55 = arith.constant 0 : i32
    %dma_start3A_56 = arith.constant 0 : i32
    %dma_start3A_57 = tpu.memref_slice %arg8[%dma_start3A_49, %dma_start3A_55, %dma_start3A_56] : memref<2x8x2048xf32, #tpu.memory_space<vmem>> -> memref<1x8x2048xf32, #tpu.memory_space<vmem>>
    %dma_start3A_58 = tpu.memref_squeeze %dma_start3A_57 : memref<1x8x2048xf32, #tpu.memory_space<vmem>> -> memref<8x2048xf32, #tpu.memory_space<vmem>>
    %dma_start3A_59 = tpu.memref_slice %arg2[%mul3A_18, %add3A_48] : memref<64x262144xf32, #tpu.memory_space<hbm>> -> memref<8x2048xf32, #tpu.memory_space<hbm>>
    tpu.enqueue_dma source(%dma_start3A_59 : memref<8x2048xf32, #tpu.memory_space<hbm>>) target(%dma_start3A_58 : memref<8x2048xf32, #tpu.memory_space<vmem>>) target_semaphore(%arg11 : memref<!tpu.dma_semaphore, #tpu.memory_space<semaphore_mem>>)
    tpu.enqueue_dma source(%arg3 : memref<256xf32, #tpu.memory_space<hbm>>) target(%arg6 : memref<256xf32, #tpu.memory_space<vmem>>) target_semaphore(%arg12 : memref<!tpu.dma_semaphore, #tpu.memory_space<semaphore_mem>>)
    tpu.enqueue_dma source(%arg4 : memref<256xf32, #tpu.memory_space<hbm>>) target(%arg7 : memref<256xf32, #tpu.memory_space<vmem>>) target_semaphore(%arg13 : memref<!tpu.dma_semaphore, #tpu.memory_space<semaphore_mem>>)
    tpu.wait_dma2 semaphore(%arg12 : memref<!tpu.dma_semaphore, #tpu.memory_space<semaphore_mem>>) src(%arg3 : memref<256xf32, #tpu.memory_space<hbm>>) dst(%arg6 : memref<256xf32, #tpu.memory_space<vmem>>)
    tpu.wait_dma2 semaphore(%arg13 : memref<!tpu.dma_semaphore, #tpu.memory_space<semaphore_mem>>) src(%arg4 : memref<256xf32, #tpu.memory_space<hbm>>) dst(%arg7 : memref<256xf32, #tpu.memory_space<vmem>>)
    %scan3A = arith.constant 0 : i32
    %scan3A_60 = arith.constant 4.250000e+01 : f32
    %scan3A_61 = arith.constant 1.275000e+02 : f32
    %scan3A_62 = arith.constant 0 : i32
    %scan3A_63 = arith.constant 16 : i32
    %scan3A_64 = arith.addi %scan3A_62, %scan3A_63 : i32
    %scan3A_65 = arith.constant 1 : i32
    scf.for %scan3A_96 = %scan3A_62 to %scan3A_64 step %scan3A_65  : i32 {
      %mul3A_97 = arith.constant 2 : i32
      %mul3A_98 = arith.muli %scan3A_96, %mul3A_97 : i32
      %add3A_99 = arith.constant 0 : i32
      %add3A_100 = arith.addi %mul3A_98, %add3A_99 : i32
      %dma_wait3A_101 = arith.constant 0 : i32
      %dma_wait3A_102 = arith.constant 0 : i32
      %dma_wait3A_103 = arith.constant 0 : i32
      %dma_wait3A_104 = tpu.memref_slice %arg8[%dma_wait3A_101, %dma_wait3A_102, %dma_wait3A_103] : memref<2x8x2048xf32, #tpu.memory_space<vmem>> -> memref<1x8x2048xf32, #tpu.memory_space<vmem>>
      %dma_wait3A_105 = tpu.memref_squeeze %dma_wait3A_104 : memref<1x8x2048xf32, #tpu.memory_space<vmem>> -> memref<8x2048xf32, #tpu.memory_space<vmem>>
      %dma_wait3A_106 = arith.constant 0 : i32
      %dma_wait3A_107 = arith.constant 0 : i32
      %dma_wait3A_108 = tpu.memref_slice %arg2[%dma_wait3A_106, %dma_wait3A_107] : memref<64x262144xf32, #tpu.memory_space<hbm>> -> memref<8x2048xf32, #tpu.memory_space<hbm>>
      %dma_wait3A_109 = arith.constant 0 : i32
      %dma_wait3A_110 = arith.constant 0 : i32
      %dma_wait3A_111 = tpu.memref_slice %arg8[%dma_wait3A_101, %dma_wait3A_109, %dma_wait3A_110] : memref<2x8x2048xf32, #tpu.memory_space<vmem>> -> memref<1x8x2048xf32, #tpu.memory_space<vmem>>
      %dma_wait3A_112 = tpu.memref_squeeze %dma_wait3A_111 : memref<1x8x2048xf32, #tpu.memory_space<vmem>> -> memref<8x2048xf32, #tpu.memory_space<vmem>>
      %dma_wait3A_113 = arith.constant 0 : i32
      %dma_wait3A_114 = arith.constant 0 : i32
      %dma_wait3A_115 = tpu.memref_slice %arg2[%dma_wait3A_113, %dma_wait3A_114] : memref<64x262144xf32, #tpu.memory_space<hbm>> -> memref<8x2048xf32, #tpu.memory_space<hbm>>
      tpu.wait_dma2 semaphore(%arg10 : memref<!tpu.dma_semaphore, #tpu.memory_space<semaphore_mem>>) src(%dma_wait3A_115 : memref<8x2048xf32, #tpu.memory_space<hbm>>) dst(%dma_wait3A_112 : memref<8x2048xf32, #tpu.memory_space<vmem>>)
      %gt3A = arith.constant 0 : i32
      %gt3A_116 = arith.cmpi sgt, %scan3A_96, %gt3A : i32
      %convert_element_type3A = arith.extui %gt3A_116 : i1 to i32
      %cond3A = arith.constant 0 : i32
      %cond3A_117 = arith.cmpi ne, %convert_element_type3A, %cond3A : i32
      scf.if %cond3A_117 {
        %dma_wait3A_189 = arith.constant 0 : i32
        %dma_wait3A_190 = arith.constant 0 : i32
        %dma_wait3A_191 = arith.constant 0 : i32
        %dma_wait3A_192 = tpu.memref_slice %arg9[%dma_wait3A_189, %dma_wait3A_190, %dma_wait3A_191] : memref<2x8x2048xf32, #tpu.memory_space<vmem>> -> memref<1x8x2048xf32, #tpu.memory_space<vmem>>
        %dma_wait3A_193 = tpu.memref_squeeze %dma_wait3A_192 : memref<1x8x2048xf32, #tpu.memory_space<vmem>> -> memref<8x2048xf32, #tpu.memory_space<vmem>>
        %dma_wait3A_194 = arith.constant 0 : i32
        %dma_wait3A_195 = arith.constant 0 : i32
        %dma_wait3A_196 = tpu.memref_slice %arg5[%dma_wait3A_194, %dma_wait3A_195] : memref<64x262144xf32, #tpu.memory_space<hbm>> -> memref<8x2048xf32, #tpu.memory_space<hbm>>
        %dma_wait3A_197 = arith.constant 0 : i32
        %dma_wait3A_198 = arith.constant 0 : i32
        %dma_wait3A_199 = tpu.memref_slice %arg5[%dma_wait3A_197, %dma_wait3A_198] : memref<64x262144xf32, #tpu.memory_space<hbm>> -> memref<8x2048xf32, #tpu.memory_space<hbm>>
        %dma_wait3A_200 = arith.constant 0 : i32
        %dma_wait3A_201 = arith.constant 0 : i32
        %dma_wait3A_202 = tpu.memref_slice %arg9[%dma_wait3A_189, %dma_wait3A_200, %dma_wait3A_201] : memref<2x8x2048xf32, #tpu.memory_space<vmem>> -> memref<1x8x2048xf32, #tpu.memory_space<vmem>>
        %dma_wait3A_203 = tpu.memref_squeeze %dma_wait3A_202 : memref<1x8x2048xf32, #tpu.memory_space<vmem>> -> memref<8x2048xf32, #tpu.memory_space<vmem>>
        tpu.wait_dma2 semaphore(%arg12 : memref<!tpu.dma_semaphore, #tpu.memory_space<semaphore_mem>>) src(%dma_wait3A_203 : memref<8x2048xf32, #tpu.memory_space<vmem>>) dst(%dma_wait3A_199 : memref<8x2048xf32, #tpu.memory_space<hbm>>)
      } else {
      }
      %parallel_loop3A = arith.constant 0 : i32
      %parallel_loop3A_118 = arith.constant 1024 : i32
      %parallel_loop3A_119 = arith.constant 1 : i32
      scf.for %parallel_loop3A_189 = %parallel_loop3A to %parallel_loop3A_118 step %parallel_loop3A_119  : i32 {
        %parallel_loop3A_190 = arith.constant 128 : i32
        %parallel_loop3A_191 = arith.divsi %parallel_loop3A_189, %parallel_loop3A_190 : i32
        %parallel_loop3A_192 = arith.constant 0 : i32
        %parallel_loop3A_193 = arith.cmpi sgt, %parallel_loop3A_189, %parallel_loop3A_192 : i32
        %parallel_loop3A_194 = arith.extui %parallel_loop3A_193 : i1 to i32
        %parallel_loop3A_195 = arith.constant 0 : i32
        %parallel_loop3A_196 = arith.cmpi slt, %parallel_loop3A_189, %parallel_loop3A_195 : i32
        %parallel_loop3A_197 = arith.extui %parallel_loop3A_196 : i1 to i32
        %parallel_loop3A_198 = arith.subi %parallel_loop3A_194, %parallel_loop3A_197 : i32
        %parallel_loop3A_199 = arith.constant 0 : i32
        %parallel_loop3A_200 = arith.cmpi sgt, %parallel_loop3A_190, %parallel_loop3A_199 : i32
        %parallel_loop3A_201 = arith.extui %parallel_loop3A_200 : i1 to i32
        %parallel_loop3A_202 = arith.constant 0 : i32
        %parallel_loop3A_203 = arith.cmpi slt, %parallel_loop3A_190, %parallel_loop3A_202 : i32
        %parallel_loop3A_204 = arith.extui %parallel_loop3A_203 : i1 to i32
        %parallel_loop3A_205 = arith.subi %parallel_loop3A_201, %parallel_loop3A_204 : i32
        %parallel_loop3A_206 = arith.cmpi ne, %parallel_loop3A_198, %parallel_loop3A_205 : i32
        %parallel_loop3A_207 = arith.remsi %parallel_loop3A_189, %parallel_loop3A_190 : i32
        %parallel_loop3A_208 = arith.constant 0 : i32
        %parallel_loop3A_209 = arith.cmpi ne, %parallel_loop3A_207, %parallel_loop3A_208 : i32
        %parallel_loop3A_210 = arith.andi %parallel_loop3A_206, %parallel_loop3A_209 : i1
        %parallel_loop3A_211 = arith.constant 1 : i32
        %parallel_loop3A_212 = arith.subi %parallel_loop3A_191, %parallel_loop3A_211 : i32
        %parallel_loop3A_213 = arith.select %parallel_loop3A_210, %parallel_loop3A_212, %parallel_loop3A_191 : i32
        %parallel_loop3A_214 = arith.constant 128 : i32
        %parallel_loop3A_215 = arith.constant 0 : i32
        %parallel_loop3A_216 = arith.cmpi eq, %parallel_loop3A_214, %parallel_loop3A_215 : i32
        %parallel_loop3A_217 = arith.constant 1 : i32
        %parallel_loop3A_218 = arith.select %parallel_loop3A_216, %parallel_loop3A_217, %parallel_loop3A_214 : i32
        %parallel_loop3A_219 = arith.remsi %parallel_loop3A_189, %parallel_loop3A_218 : i32
        %parallel_loop3A_220 = arith.constant 0 : i32
        %parallel_loop3A_221 = arith.cmpi ne, %parallel_loop3A_219, %parallel_loop3A_220 : i32
        %parallel_loop3A_222 = arith.constant 0 : i32
        %parallel_loop3A_223 = arith.cmpi slt, %parallel_loop3A_219, %parallel_loop3A_222 : i32
        %parallel_loop3A_224 = arith.constant 0 : i32
        %parallel_loop3A_225 = arith.cmpi slt, %parallel_loop3A_218, %parallel_loop3A_224 : i32
        %parallel_loop3A_226 = arith.xori %parallel_loop3A_223, %parallel_loop3A_225 : i1
        %parallel_loop3A_227 = arith.andi %parallel_loop3A_226, %parallel_loop3A_221 : i1
        %parallel_loop3A_228 = arith.addi %parallel_loop3A_219, %parallel_loop3A_218 : i32
        %parallel_loop3A_229 = arith.select %parallel_loop3A_227, %parallel_loop3A_228, %parallel_loop3A_219 : i32
        %parallel_loop3A_230 = arith.constant 16 : i32
        %parallel_loop3A_231 = arith.muli %parallel_loop3A_229, %parallel_loop3A_230 : i32
        %parallel_loop3A_232 = arith.constant 0 : i32
        %parallel_loop3A_233 = arith.index_cast %parallel_loop3A_232 : i32 to index
        %parallel_loop3A_234 = arith.index_cast %parallel_loop3A_213 : i32 to index
        %parallel_loop3A_235 = arith.index_cast %parallel_loop3A_231 : i32 to index
        %parallel_loop3A_236 = tpu.vector_load %arg8[%parallel_loop3A_233, %parallel_loop3A_234, %parallel_loop3A_235] {strides = array<i32>} : memref<2x8x2048xf32, #tpu.memory_space<vmem>>, vector<16xf32>,
        %parallel_loop3A_237 = vector.broadcast %scan3A_60 : f32 to vector<16xf32>
        %parallel_loop3A_238 = arith.mulf %parallel_loop3A_236, %parallel_loop3A_237 : vector<16xf32>
        %parallel_loop3A_239 = vector.broadcast %scan3A_61 : f32 to vector<16xf32>
        %parallel_loop3A_240 = arith.addf %parallel_loop3A_238, %parallel_loop3A_239 : vector<16xf32>
        %parallel_loop3A_241 = arith.constant 0.000000e+00 : f32
        %parallel_loop3A_242 = vector.broadcast %parallel_loop3A_241 : f32 to vector<16xf32>
        %parallel_loop3A_243 = arith.maximumf %parallel_loop3A_240, %parallel_loop3A_242 : vector<16xf32>
        %parallel_loop3A_244 = arith.constant 2.550000e+02 : f32
        %parallel_loop3A_245 = vector.broadcast %parallel_loop3A_244 : f32 to vector<16xf32>
        %parallel_loop3A_246 = arith.minimumf %parallel_loop3A_243, %parallel_loop3A_245 : vector<16xf32>
        %parallel_loop3A_247 = arith.fptosi %parallel_loop3A_246 : vector<16xf32> to vector<16xi32>
        %parallel_loop3A_248 = tpu.vector_load_idx %arg6[%parallel_loop3A_247] : memref<256xf32, #tpu.memory_space<vmem>>[vector<16xi32>], vector<16xf32>,
        %parallel_loop3A_249 = tpu.vector_load_idx %arg7[%parallel_loop3A_247] : memref<256xf32, #tpu.memory_space<vmem>>[vector<16xi32>], vector<16xf32>,
        %parallel_loop3A_250 = arith.mulf %parallel_loop3A_246, %parallel_loop3A_249 : vector<16xf32>
        %parallel_loop3A_251 = arith.addf %parallel_loop3A_248, %parallel_loop3A_250 : vector<16xf32>
        %parallel_loop3A_252 = arith.constant 16 : i32
        %parallel_loop3A_253 = arith.muli %parallel_loop3A_229, %parallel_loop3A_252 : i32
        %parallel_loop3A_254 = arith.constant 0 : i32
        %parallel_loop3A_255 = arith.index_cast %parallel_loop3A_254 : i32 to index
        %parallel_loop3A_256 = arith.index_cast %parallel_loop3A_213 : i32 to index
        %parallel_loop3A_257 = arith.index_cast %parallel_loop3A_253 : i32 to index
        %parallel_loop3A_258 = tpu.vector_load %arg9[%parallel_loop3A_255, %parallel_loop3A_256, %parallel_loop3A_257] {strides = array<i32>} : memref<2x8x2048xf32, #tpu.memory_space<vmem>>, vector<16xf32>,
        tpu.vector_store %arg9[%parallel_loop3A_255, %parallel_loop3A_256, %parallel_loop3A_257], %parallel_loop3A_251 {strides = array<i32>} : memref<2x8x2048xf32, #tpu.memory_space<vmem>>, vector<16xf32>,
      } {sc.loop_unroll_factor = 8 : i64, sc.parallel_access}
      %mul3A_120 = arith.constant 2048 : i32
      %mul3A_121 = arith.muli %add3A_100, %mul3A_120 : i32
      %add3A_122 = arith.addi %mul3A_34, %mul3A_121 : i32
      %dma_start3A_123 = arith.constant 0 : i32
      %dma_start3A_124 = arith.constant 0 : i32
      %dma_start3A_125 = arith.constant 0 : i32
      %dma_start3A_126 = tpu.memref_slice %arg9[%dma_start3A_123, %dma_start3A_124, %dma_start3A_125] : memref<2x8x2048xf32, #tpu.memory_space<vmem>> -> memref<1x8x2048xf32, #tpu.memory_space<vmem>>
      %dma_start3A_127 = tpu.memref_squeeze %dma_start3A_126 : memref<1x8x2048xf32, #tpu.memory_space<vmem>> -> memref<8x2048xf32, #tpu.memory_space<vmem>>
      %dma_start3A_128 = tpu.memref_slice %arg5[%mul3A_18, %add3A_122] : memref<64x262144xf32, #tpu.memory_space<hbm>> -> memref<8x2048xf32, #tpu.memory_space<hbm>>
      %dma_start3A_129 = tpu.memref_slice %arg5[%mul3A_18, %add3A_122] : memref<64x262144xf32, #tpu.memory_space<hbm>> -> memref<8x2048xf32, #tpu.memory_space<hbm>>
      %dma_start3A_130 = arith.constant 0 : i32
      %dma_start3A_131 = arith.constant 0 : i32
      %dma_start3A_132 = tpu.memref_slice %arg9[%dma_start3A_123, %dma_start3A_130, %dma_start3A_131] : memref<2x8x2048xf32, #tpu.memory_space<vmem>> -> memref<1x8x2048xf32, #tpu.memory_space<vmem>>
      %dma_start3A_133 = tpu.memref_squeeze %dma_start3A_132 : memref<1x8x2048xf32, #tpu.memory_space<vmem>> -> memref<8x2048xf32, #tpu.memory_space<vmem>>
      tpu.enqueue_dma source(%dma_start3A_133 : memref<8x2048xf32, #tpu.memory_space<vmem>>) target(%dma_start3A_129 : memref<8x2048xf32, #tpu.memory_space<hbm>>) target_semaphore(%arg12 : memref<!tpu.dma_semaphore, #tpu.memory_space<semaphore_mem>>)
      %add3A_134 = arith.constant 2 : i32
      %add3A_135 = arith.addi %add3A_100, %add3A_134 : i32
      %lt3A_136 = arith.constant 32 : i32
      %lt3A_137 = arith.cmpi slt, %add3A_135, %lt3A_136 : i32
      %convert_element_type3A_138 = arith.extui %lt3A_137 : i1 to i32
      %cond3A_139 = arith.constant 0 : i32
      %cond3A_140 = arith.cmpi ne, %convert_element_type3A_138, %cond3A_139 : i32
      scf.if %cond3A_140 {
        %add3A_189 = arith.constant 2 : i32
        %add3A_190 = arith.addi %add3A_100, %add3A_189 : i32
        %mul3A_191 = arith.constant 2048 : i32
        %mul3A_192 = arith.muli %add3A_190, %mul3A_191 : i32
        %add3A_193 = arith.addi %mul3A_34, %mul3A_192 : i32
        %dma_start3A_194 = arith.constant 0 : i32
        %dma_start3A_195 = arith.constant 0 : i32
        %dma_start3A_196 = arith.constant 0 : i32
        %dma_start3A_197 = tpu.memref_slice %arg8[%dma_start3A_194, %dma_start3A_195, %dma_start3A_196] : memref<2x8x2048xf32, #tpu.memory_space<vmem>> -> memref<1x8x2048xf32, #tpu.memory_space<vmem>>
        %dma_start3A_198 = tpu.memref_squeeze %dma_start3A_197 : memref<1x8x2048xf32, #tpu.memory_space<vmem>> -> memref<8x2048xf32, #tpu.memory_space<vmem>>
        %dma_start3A_199 = tpu.memref_slice %arg2[%mul3A_18, %add3A_193] : memref<64x262144xf32, #tpu.memory_space<hbm>> -> memref<8x2048xf32, #tpu.memory_space<hbm>>
        %dma_start3A_200 = arith.constant 0 : i32
        %dma_start3A_201 = arith.constant 0 : i32
        %dma_start3A_202 = tpu.memref_slice %arg8[%dma_start3A_194, %dma_start3A_200, %dma_start3A_201] : memref<2x8x2048xf32, #tpu.memory_space<vmem>> -> memref<1x8x2048xf32, #tpu.memory_space<vmem>>
        %dma_start3A_203 = tpu.memref_squeeze %dma_start3A_202 : memref<1x8x2048xf32, #tpu.memory_space<vmem>> -> memref<8x2048xf32, #tpu.memory_space<vmem>>
        %dma_start3A_204 = tpu.memref_slice %arg2[%mul3A_18, %add3A_193] : memref<64x262144xf32, #tpu.memory_space<hbm>> -> memref<8x2048xf32, #tpu.memory_space<hbm>>
        tpu.enqueue_dma source(%dma_start3A_204 : memref<8x2048xf32, #tpu.memory_space<hbm>>) target(%dma_start3A_203 : memref<8x2048xf32, #tpu.memory_space<vmem>>) target_semaphore(%arg10 : memref<!tpu.dma_semaphore, #tpu.memory_space<semaphore_mem>>)
      } else {
      }
      %mul3A_141 = arith.constant 2 : i32
      %mul3A_142 = arith.muli %scan3A_96, %mul3A_141 : i32
      %add3A_143 = arith.constant 1 : i32
      %add3A_144 = arith.addi %mul3A_142, %add3A_143 : i32
      %dma_wait3A_145 = arith.constant 1 : i32
      %dma_wait3A_146 = arith.constant 0 : i32
      %dma_wait3A_147 = arith.constant 0 : i32
      %dma_wait3A_148 = tpu.memref_slice %arg8[%dma_wait3A_145, %dma_wait3A_146, %dma_wait3A_147] : memref<2x8x2048xf32, #tpu.memory_space<vmem>> -> memref<1x8x2048xf32, #tpu.memory_space<vmem>>
      %dma_wait3A_149 = tpu.memref_squeeze %dma_wait3A_148 : memref<1x8x2048xf32, #tpu.memory_space<vmem>> -> memref<8x2048xf32, #tpu.memory_space<vmem>>
      %dma_wait3A_150 = arith.constant 0 : i32
      %dma_wait3A_151 = arith.constant 0 : i32
      %dma_wait3A_152 = tpu.memref_slice %arg2[%dma_wait3A_150, %dma_wait3A_151] : memref<64x262144xf32, #tpu.memory_space<hbm>> -> memref<8x2048xf32, #tpu.memory_space<hbm>>
      %dma_wait3A_153 = arith.constant 0 : i32
      %dma_wait3A_154 = arith.constant 0 : i32
      %dma_wait3A_155 = tpu.memref_slice %arg8[%dma_wait3A_145, %dma_wait3A_153, %dma_wait3A_154] : memref<2x8x2048xf32, #tpu.memory_space<vmem>> -> memref<1x8x2048xf32, #tpu.memory_space<vmem>>
      %dma_wait3A_156 = tpu.memref_squeeze %dma_wait3A_155 : memref<1x8x2048xf32, #tpu.memory_space<vmem>> -> memref<8x2048xf32, #tpu.memory_space<vmem>>
      %dma_wait3A_157 = arith.constant 0 : i32
      %dma_wait3A_158 = arith.constant 0 : i32
      %dma_wait3A_159 = tpu.memref_slice %arg2[%dma_wait3A_157, %dma_wait3A_158] : memref<64x262144xf32, #tpu.memory_space<hbm>> -> memref<8x2048xf32, #tpu.memory_space<hbm>>
      tpu.wait_dma2 semaphore(%arg11 : memref<!tpu.dma_semaphore, #tpu.memory_space<semaphore_mem>>) src(%dma_wait3A_159 : memref<8x2048xf32, #tpu.memory_space<hbm>>) dst(%dma_wait3A_156 : memref<8x2048xf32, #tpu.memory_space<vmem>>)
      %gt3A_160 = arith.constant 0 : i32
      %gt3A_161 = arith.cmpi sgt, %scan3A_96, %gt3A_160 : i32
      %convert_element_type3A_162 = arith.extui %gt3A_161 : i1 to i32
      %cond3A_163 = arith.constant 0 : i32
      %cond3A_164 = arith.cmpi ne, %convert_element_type3A_162, %cond3A_163 : i32
      scf.if %cond3A_164 {
        %dma_wait3A_189 = arith.constant 1 : i32
        %dma_wait3A_190 = arith.constant 0 : i32
        %dma_wait3A_191 = arith.constant 0 : i32
        %dma_wait3A_192 = tpu.memref_slice %arg9[%dma_wait3A_189, %dma_wait3A_190, %dma_wait3A_191] : memref<2x8x2048xf32, #tpu.memory_space<vmem>> -> memref<1x8x2048xf32, #tpu.memory_space<vmem>>
        %dma_wait3A_193 = tpu.memref_squeeze %dma_wait3A_192 : memref<1x8x2048xf32, #tpu.memory_space<vmem>> -> memref<8x2048xf32, #tpu.memory_space<vmem>>
        %dma_wait3A_194 = arith.constant 0 : i32
        %dma_wait3A_195 = arith.constant 0 : i32
        %dma_wait3A_196 = tpu.memref_slice %arg5[%dma_wait3A_194, %dma_wait3A_195] : memref<64x262144xf32, #tpu.memory_space<hbm>> -> memref<8x2048xf32, #tpu.memory_space<hbm>>
        %dma_wait3A_197 = arith.constant 0 : i32
        %dma_wait3A_198 = arith.constant 0 : i32
        %dma_wait3A_199 = tpu.memref_slice %arg5[%dma_wait3A_197, %dma_wait3A_198] : memref<64x262144xf32, #tpu.memory_space<hbm>> -> memref<8x2048xf32, #tpu.memory_space<hbm>>
        %dma_wait3A_200 = arith.constant 0 : i32
        %dma_wait3A_201 = arith.constant 0 : i32
        %dma_wait3A_202 = tpu.memref_slice %arg9[%dma_wait3A_189, %dma_wait3A_200, %dma_wait3A_201] : memref<2x8x2048xf32, #tpu.memory_space<vmem>> -> memref<1x8x2048xf32, #tpu.memory_space<vmem>>
        %dma_wait3A_203 = tpu.memref_squeeze %dma_wait3A_202 : memref<1x8x2048xf32, #tpu.memory_space<vmem>> -> memref<8x2048xf32, #tpu.memory_space<vmem>>
        tpu.wait_dma2 semaphore(%arg13 : memref<!tpu.dma_semaphore, #tpu.memory_space<semaphore_mem>>) src(%dma_wait3A_203 : memref<8x2048xf32, #tpu.memory_space<vmem>>) dst(%dma_wait3A_199 : memref<8x2048xf32, #tpu.memory_space<hbm>>)
      } else {
      }
      %parallel_loop3A_165 = arith.constant 0 : i32
      %parallel_loop3A_166 = arith.constant 1024 : i32
      %parallel_loop3A_167 = arith.constant 1 : i32
      scf.for %parallel_loop3A_189 = %parallel_loop3A_165 to %parallel_loop3A_166 step %parallel_loop3A_167  : i32 {
        %parallel_loop3A_190 = arith.constant 128 : i32
        %parallel_loop3A_191 = arith.divsi %parallel_loop3A_189, %parallel_loop3A_190 : i32
        %parallel_loop3A_192 = arith.constant 0 : i32
        %parallel_loop3A_193 = arith.cmpi sgt, %parallel_loop3A_189, %parallel_loop3A_192 : i32
        %parallel_loop3A_194 = arith.extui %parallel_loop3A_193 : i1 to i32
        %parallel_loop3A_195 = arith.constant 0 : i32
        %parallel_loop3A_196 = arith.cmpi slt, %parallel_loop3A_189, %parallel_loop3A_195 : i32
        %parallel_loop3A_197 = arith.extui %parallel_loop3A_196 : i1 to i32
        %parallel_loop3A_198 = arith.subi %parallel_loop3A_194, %parallel_loop3A_197 : i32
        %parallel_loop3A_199 = arith.constant 0 : i32
        %parallel_loop3A_200 = arith.cmpi sgt, %parallel_loop3A_190, %parallel_loop3A_199 : i32
        %parallel_loop3A_201 = arith.extui %parallel_loop3A_200 : i1 to i32
        %parallel_loop3A_202 = arith.constant 0 : i32
        %parallel_loop3A_203 = arith.cmpi slt, %parallel_loop3A_190, %parallel_loop3A_202 : i32
        %parallel_loop3A_204 = arith.extui %parallel_loop3A_203 : i1 to i32
        %parallel_loop3A_205 = arith.subi %parallel_loop3A_201, %parallel_loop3A_204 : i32
        %parallel_loop3A_206 = arith.cmpi ne, %parallel_loop3A_198, %parallel_loop3A_205 : i32
        %parallel_loop3A_207 = arith.remsi %parallel_loop3A_189, %parallel_loop3A_190 : i32
        %parallel_loop3A_208 = arith.constant 0 : i32
        %parallel_loop3A_209 = arith.cmpi ne, %parallel_loop3A_207, %parallel_loop3A_208 : i32
        %parallel_loop3A_210 = arith.andi %parallel_loop3A_206, %parallel_loop3A_209 : i1
        %parallel_loop3A_211 = arith.constant 1 : i32
        %parallel_loop3A_212 = arith.subi %parallel_loop3A_191, %parallel_loop3A_211 : i32
        %parallel_loop3A_213 = arith.select %parallel_loop3A_210, %parallel_loop3A_212, %parallel_loop3A_191 : i32
        %parallel_loop3A_214 = arith.constant 128 : i32
        %parallel_loop3A_215 = arith.constant 0 : i32
        %parallel_loop3A_216 = arith.cmpi eq, %parallel_loop3A_214, %parallel_loop3A_215 : i32
        %parallel_loop3A_217 = arith.constant 1 : i32
        %parallel_loop3A_218 = arith.select %parallel_loop3A_216, %parallel_loop3A_217, %parallel_loop3A_214 : i32
        %parallel_loop3A_219 = arith.remsi %parallel_loop3A_189, %parallel_loop3A_218 : i32
        %parallel_loop3A_220 = arith.constant 0 : i32
        %parallel_loop3A_221 = arith.cmpi ne, %parallel_loop3A_219, %parallel_loop3A_220 : i32
        %parallel_loop3A_222 = arith.constant 0 : i32
        %parallel_loop3A_223 = arith.cmpi slt, %parallel_loop3A_219, %parallel_loop3A_222 : i32
        %parallel_loop3A_224 = arith.constant 0 : i32
        %parallel_loop3A_225 = arith.cmpi slt, %parallel_loop3A_218, %parallel_loop3A_224 : i32
        %parallel_loop3A_226 = arith.xori %parallel_loop3A_223, %parallel_loop3A_225 : i1
        %parallel_loop3A_227 = arith.andi %parallel_loop3A_226, %parallel_loop3A_221 : i1
        %parallel_loop3A_228 = arith.addi %parallel_loop3A_219, %parallel_loop3A_218 : i32
        %parallel_loop3A_229 = arith.select %parallel_loop3A_227, %parallel_loop3A_228, %parallel_loop3A_219 : i32
        %parallel_loop3A_230 = arith.constant 16 : i32
        %parallel_loop3A_231 = arith.muli %parallel_loop3A_229, %parallel_loop3A_230 : i32
        %parallel_loop3A_232 = arith.constant 1 : i32
        %parallel_loop3A_233 = arith.index_cast %parallel_loop3A_232 : i32 to index
        %parallel_loop3A_234 = arith.index_cast %parallel_loop3A_213 : i32 to index
        %parallel_loop3A_235 = arith.index_cast %parallel_loop3A_231 : i32 to index
        %parallel_loop3A_236 = tpu.vector_load %arg8[%parallel_loop3A_233, %parallel_loop3A_234, %parallel_loop3A_235] {strides = array<i32>} : memref<2x8x2048xf32, #tpu.memory_space<vmem>>, vector<16xf32>,
        %parallel_loop3A_237 = vector.broadcast %scan3A_60 : f32 to vector<16xf32>
        %parallel_loop3A_238 = arith.mulf %parallel_loop3A_236, %parallel_loop3A_237 : vector<16xf32>
        %parallel_loop3A_239 = vector.broadcast %scan3A_61 : f32 to vector<16xf32>
        %parallel_loop3A_240 = arith.addf %parallel_loop3A_238, %parallel_loop3A_239 : vector<16xf32>
        %parallel_loop3A_241 = arith.constant 0.000000e+00 : f32
        %parallel_loop3A_242 = vector.broadcast %parallel_loop3A_241 : f32 to vector<16xf32>
        %parallel_loop3A_243 = arith.maximumf %parallel_loop3A_240, %parallel_loop3A_242 : vector<16xf32>
        %parallel_loop3A_244 = arith.constant 2.550000e+02 : f32
        %parallel_loop3A_245 = vector.broadcast %parallel_loop3A_244 : f32 to vector<16xf32>
        %parallel_loop3A_246 = arith.minimumf %parallel_loop3A_243, %parallel_loop3A_245 : vector<16xf32>
        %parallel_loop3A_247 = arith.fptosi %parallel_loop3A_246 : vector<16xf32> to vector<16xi32>
        %parallel_loop3A_248 = tpu.vector_load_idx %arg6[%parallel_loop3A_247] : memref<256xf32, #tpu.memory_space<vmem>>[vector<16xi32>], vector<16xf32>,
        %parallel_loop3A_249 = tpu.vector_load_idx %arg7[%parallel_loop3A_247] : memref<256xf32, #tpu.memory_space<vmem>>[vector<16xi32>], vector<16xf32>,
        %parallel_loop3A_250 = arith.mulf %parallel_loop3A_246, %parallel_loop3A_249 : vector<16xf32>
        %parallel_loop3A_251 = arith.addf %parallel_loop3A_248, %parallel_loop3A_250 : vector<16xf32>
        %parallel_loop3A_252 = arith.constant 16 : i32
        %parallel_loop3A_253 = arith.muli %parallel_loop3A_229, %parallel_loop3A_252 : i32
        %parallel_loop3A_254 = arith.constant 1 : i32
        %parallel_loop3A_255 = arith.index_cast %parallel_loop3A_254 : i32 to index
        %parallel_loop3A_256 = arith.index_cast %parallel_loop3A_213 : i32 to index
        %parallel_loop3A_257 = arith.index_cast %parallel_loop3A_253 : i32 to index
        %parallel_loop3A_258 = tpu.vector_load %arg9[%parallel_loop3A_255, %parallel_loop3A_256, %parallel_loop3A_257] {strides = array<i32>} : memref<2x8x2048xf32, #tpu.memory_space<vmem>>, vector<16xf32>,
        tpu.vector_store %arg9[%parallel_loop3A_255, %parallel_loop3A_256, %parallel_loop3A_257], %parallel_loop3A_251 {strides = array<i32>} : memref<2x8x2048xf32, #tpu.memory_space<vmem>>, vector<16xf32>,
      } {sc.loop_unroll_factor = 8 : i64, sc.parallel_access}
      %mul3A_168 = arith.constant 2048 : i32
      %mul3A_169 = arith.muli %add3A_144, %mul3A_168 : i32
      %add3A_170 = arith.addi %mul3A_34, %mul3A_169 : i32
      %dma_start3A_171 = arith.constant 1 : i32
      %dma_start3A_172 = arith.constant 0 : i32
      %dma_start3A_173 = arith.constant 0 : i32
      %dma_start3A_174 = tpu.memref_slice %arg9[%dma_start3A_171, %dma_start3A_172, %dma_start3A_173] : memref<2x8x2048xf32, #tpu.memory_space<vmem>> -> memref<1x8x2048xf32, #tpu.memory_space<vmem>>
      %dma_start3A_175 = tpu.memref_squeeze %dma_start3A_174 : memref<1x8x2048xf32, #tpu.memory_space<vmem>> -> memref<8x2048xf32, #tpu.memory_space<vmem>>
      %dma_start3A_176 = tpu.memref_slice %arg5[%mul3A_18, %add3A_170] : memref<64x262144xf32, #tpu.memory_space<hbm>> -> memref<8x2048xf32, #tpu.memory_space<hbm>>
      %dma_start3A_177 = tpu.memref_slice %arg5[%mul3A_18, %add3A_170] : memref<64x262144xf32, #tpu.memory_space<hbm>> -> memref<8x2048xf32, #tpu.memory_space<hbm>>
      %dma_start3A_178 = arith.constant 0 : i32
      %dma_start3A_179 = arith.constant 0 : i32
      %dma_start3A_180 = tpu.memref_slice %arg9[%dma_start3A_171, %dma_start3A_178, %dma_start3A_179] : memref<2x8x2048xf32, #tpu.memory_space<vmem>> -> memref<1x8x2048xf32, #tpu.memory_space<vmem>>
      %dma_start3A_181 = tpu.memref_squeeze %dma_start3A_180 : memref<1x8x2048xf32, #tpu.memory_space<vmem>> -> memref<8x2048xf32, #tpu.memory_space<vmem>>
      tpu.enqueue_dma source(%dma_start3A_181 : memref<8x2048xf32, #tpu.memory_space<vmem>>) target(%dma_start3A_177 : memref<8x2048xf32, #tpu.memory_space<hbm>>) target_semaphore(%arg13 : memref<!tpu.dma_semaphore, #tpu.memory_space<semaphore_mem>>)
      %add3A_182 = arith.constant 2 : i32
      %add3A_183 = arith.addi %add3A_144, %add3A_182 : i32
      %lt3A_184 = arith.constant 32 : i32
      %lt3A_185 = arith.cmpi slt, %add3A_183, %lt3A_184 : i32
      %convert_element_type3A_186 = arith.extui %lt3A_185 : i1 to i32
      %cond3A_187 = arith.constant 0 : i32
      %cond3A_188 = arith.cmpi ne, %convert_element_type3A_186, %cond3A_187 : i32
      scf.if %cond3A_188 {
        %add3A_189 = arith.constant 2 : i32
        %add3A_190 = arith.addi %add3A_144, %add3A_189 : i32
        %mul3A_191 = arith.constant 2048 : i32
        %mul3A_192 = arith.muli %add3A_190, %mul3A_191 : i32
        %add3A_193 = arith.addi %mul3A_34, %mul3A_192 : i32
        %dma_start3A_194 = arith.constant 1 : i32
        %dma_start3A_195 = arith.constant 0 : i32
        %dma_start3A_196 = arith.constant 0 : i32
        %dma_start3A_197 = tpu.memref_slice %arg8[%dma_start3A_194, %dma_start3A_195, %dma_start3A_196] : memref<2x8x2048xf32, #tpu.memory_space<vmem>> -> memref<1x8x2048xf32, #tpu.memory_space<vmem>>
        %dma_start3A_198 = tpu.memref_squeeze %dma_start3A_197 : memref<1x8x2048xf32, #tpu.memory_space<vmem>> -> memref<8x2048xf32, #tpu.memory_space<vmem>>
        %dma_start3A_199 = tpu.memref_slice %arg2[%mul3A_18, %add3A_193] : memref<64x262144xf32, #tpu.memory_space<hbm>> -> memref<8x2048xf32, #tpu.memory_space<hbm>>
        %dma_start3A_200 = arith.constant 0 : i32
        %dma_start3A_201 = arith.constant 0 : i32
        %dma_start3A_202 = tpu.memref_slice %arg8[%dma_start3A_194, %dma_start3A_200, %dma_start3A_201] : memref<2x8x2048xf32, #tpu.memory_space<vmem>> -> memref<1x8x2048xf32, #tpu.memory_space<vmem>>
        %dma_start3A_203 = tpu.memref_squeeze %dma_start3A_202 : memref<1x8x2048xf32, #tpu.memory_space<vmem>> -> memref<8x2048xf32, #tpu.memory_space<vmem>>
        %dma_start3A_204 = tpu.memref_slice %arg2[%mul3A_18, %add3A_193] : memref<64x262144xf32, #tpu.memory_space<hbm>> -> memref<8x2048xf32, #tpu.memory_space<hbm>>
        tpu.enqueue_dma source(%dma_start3A_204 : memref<8x2048xf32, #tpu.memory_space<hbm>>) target(%dma_start3A_203 : memref<8x2048xf32, #tpu.memory_space<vmem>>) target_semaphore(%arg11 : memref<!tpu.dma_semaphore, #tpu.memory_space<semaphore_mem>>)
      } else {
      }
    }
    %scan3A_66 = arith.constant 16 : i32
    %dma_wait3A = arith.constant 0 : i32
    %dma_wait3A_67 = arith.constant 0 : i32
    %dma_wait3A_68 = arith.constant 0 : i32
    %dma_wait3A_69 = tpu.memref_slice %arg9[%dma_wait3A, %dma_wait3A_67, %dma_wait3A_68] : memref<2x8x2048xf32, #tpu.memory_space<vmem>> -> memref<1x8x2048xf32, #tpu.memory_space<vmem>>
    %dma_wait3A_70 = tpu.memref_squeeze %dma_wait3A_69 : memref<1x8x2048xf32, #tpu.memory_space<vmem>> -> memref<8x2048xf32, #tpu.memory_space<vmem>>
    %dma_wait3A_71 = arith.constant 0 : i32
    %dma_wait3A_72 = arith.constant 0 : i32
    %dma_wait3A_73 = tpu.memref_slice %arg5[%dma_wait3A_71, %dma_wait3A_72] : memref<64x262144xf32, #tpu.memory_space<hbm>> -> memref<8x2048xf32, #tpu.memory_space<hbm>>
    %dma_wait3A_74 = arith.constant 0 : i32
    %dma_wait3A_75 = arith.constant 0 : i32
    %dma_wait3A_76 = tpu.memref_slice %arg5[%dma_wait3A_74, %dma_wait3A_75] : memref<64x262144xf32, #tpu.memory_space<hbm>> -> memref<8x2048xf32, #tpu.memory_space<hbm>>
    %dma_wait3A_77 = arith.constant 0 : i32
    %dma_wait3A_78 = arith.constant 0 : i32
    %dma_wait3A_79 = tpu.memref_slice %arg9[%dma_wait3A, %dma_wait3A_77, %dma_wait3A_78] : memref<2x8x2048xf32, #tpu.memory_space<vmem>> -> memref<1x8x2048xf32, #tpu.memory_space<vmem>>
    %dma_wait3A_80 = tpu.memref_squeeze %dma_wait3A_79 : memref<1x8x2048xf32, #tpu.memory_space<vmem>> -> memref<8x2048xf32, #tpu.memory_space<vmem>>
    tpu.wait_dma2 semaphore(%arg12 : memref<!tpu.dma_semaphore, #tpu.memory_space<semaphore_mem>>) src(%dma_wait3A_80 : memref<8x2048xf32, #tpu.memory_space<vmem>>) dst(%dma_wait3A_76 : memref<8x2048xf32, #tpu.memory_space<hbm>>)
    %dma_wait3A_81 = arith.constant 1 : i32
    %dma_wait3A_82 = arith.constant 0 : i32
    %dma_wait3A_83 = arith.constant 0 : i32
    %dma_wait3A_84 = tpu.memref_slice %arg9[%dma_wait3A_81, %dma_wait3A_82, %dma_wait3A_83] : memref<2x8x2048xf32, #tpu.memory_space<vmem>> -> memref<1x8x2048xf32, #tpu.memory_space<vmem>>
    %dma_wait3A_85 = tpu.memref_squeeze %dma_wait3A_84 : memref<1x8x2048xf32, #tpu.memory_space<vmem>> -> memref<8x2048xf32, #tpu.memory_space<vmem>>
    %dma_wait3A_86 = arith.constant 0 : i32
    %dma_wait3A_87 = arith.constant 0 : i32
    %dma_wait3A_88 = tpu.memref_slice %arg5[%dma_wait3A_86, %dma_wait3A_87] : memref<64x262144xf32, #tpu.memory_space<hbm>> -> memref<8x2048xf32, #tpu.memory_space<hbm>>
    %dma_wait3A_89 = arith.constant 0 : i32
    %dma_wait3A_90 = arith.constant 0 : i32
    %dma_wait3A_91 = tpu.memref_slice %arg5[%dma_wait3A_89, %dma_wait3A_90] : memref<64x262144xf32, #tpu.memory_space<hbm>> -> memref<8x2048xf32, #tpu.memory_space<hbm>>
    %dma_wait3A_92 = arith.constant 0 : i32
    %dma_wait3A_93 = arith.constant 0 : i32
    %dma_wait3A_94 = tpu.memref_slice %arg9[%dma_wait3A_81, %dma_wait3A_92, %dma_wait3A_93] : memref<2x8x2048xf32, #tpu.memory_space<vmem>> -> memref<1x8x2048xf32, #tpu.memory_space<vmem>>
    %dma_wait3A_95 = tpu.memref_squeeze %dma_wait3A_94 : memref<1x8x2048xf32, #tpu.memory_space<vmem>> -> memref<8x2048xf32, #tpu.memory_space<vmem>>
    tpu.wait_dma2 semaphore(%arg13 : memref<!tpu.dma_semaphore, #tpu.memory_space<semaphore_mem>>) src(%dma_wait3A_95 : memref<8x2048xf32, #tpu.memory_space<vmem>>) dst(%dma_wait3A_91 : memref<8x2048xf32, #tpu.memory_space<hbm>>)
    return
  }
}

</mosaic_0001>

<sc_bundles>
// kernel: kernel.3.cloned.1.call-start
scs
__scs_entry_jumppad:
0x0: {  	(pc) =	sbr.rel $0x88, $3  }
0x1: {  	(tag) =	ssettag $0x0;
	lr =	simm.s32 $0x1  }
0x2: {  	[smem:$0x3F9F] =	sst lr;
	_ =	strace $0xD0000000  }
0x3: {  	_ = 	snop  }
0x4: {  	_ = 	snop  }
0x5: {  	_ = 	snop  }
0x6: {  	_ = 	snop  }
0x7: {  	_ = 	snop  }
__scs_overlays_trampoline_lowered:
0x8: {  	[smem:$0x3FAE] =	sst s0  }
0x9: {  	[smem:$0x3FAF] =	sst s1  }
0xa: {  	[smem:$0x3FB0] =	sst s2  }
0xb: {  	[smem:$0x3FB1] =	sst s3  }
0xc: {  	[smem:$0x3FB2] =	sst s4  }
0xd: {  	[smem:$0x3FB3] =	sst s5  }
0xe: {  	[smem:$0x3FB4] =	sst s6  }
0xf: {  	[smem:$0x3FB5] =	sst s7  }
0x10: {  	[smem:$0x3FB6] =	sst s8  }
0x11: {  	[smem:$0x3FB7] =	sst s9;
	s0 =	simm.s32 @!p0 $0x0  }
0x12: {  	s1 =	sld [smem:$0x3F9D];
	s0 =	simm.s32 @p0 $0x1  }
0x13: {  	[smem:$0x3FB8] =	sst s0;
	s0 =	simm.s32 @!p1 $0x0  }
0x14: {  	s2 =	sld [smem:$0x3F9C];
	s0 =	simm.s32 @p1 $0x1  }
0x15: {  	[smem:$0x3FB9] =	sst s0;
	s0 =	simm.s32 @!p2 $0x0  }
0x16: {  	s3 =	sld [smem:$0x3FDB];
	s0 =	simm.s32 @p2 $0x1  }
0x17: {  	s4 =	simm.s32 $0x1BF5;
	[smem:$0x3FBB] =	sst s0  }
0x18: {  	s0 =	sld [smem:$0x3F9E];
	_ =	swait.ge [sflag:s4], $0x0  }
0x19: {  	s7 =	sld [smem:$0x3F9F]  }
0x1a: {  	s8 =	sadd.s32 $0xFFFFE003, lr  }
0x1b: {  	s9 =	sadd.s32 $0xFFFFFEF7, lr;
	s5 =	simm.s32 $0xFFFFFFFF;
	p2 =	slt.u32 s8, $0xFFFFF086  }
0x1c: {  	p1 =	slt.u32 s9, $0xF7A;
	s5 =	simm.s32 @!p2 $0x0  }
0x1d: {  	s5 =	simm.s32 @p1 $0x1;
	p0 =	seq.s32 s7, s2  }
0x1e: {  	s7 =	smul.u32 @!p0 $0xF7A, s2;
	p2 =	seq.s32 @!p0 s5, $0x0  }
0x1f: {  	s9 =	smul.u32 $0xF7A, s1;
	s8 =	simm.s32 @!p0 $0x1BF5;
	p2 =	por !p2, p0  }
0x20: {  	[sflag:s8] =	ssyncset.s32 @!p0 $0xFFFFF086;
	s6 =	sadd.s32 @!p0 s3, s7;
	s7 =	simm.s32 @!p0 $0x108  }
0x21: {  	s3 =	sadd.s32 s3, s9;
	s6 =	sadd.s32 @!p0 $0x88, s6;
	s7 =	simm.s32 @p2 $0x1082  }
0x22: {  	[simem:s7], [sflag:s8] =	dma.local @!p0 [hbm:s6], $0xF7A  }
0x23: {  	s9 =	sor.u32 $0xD0000000, s2;
	s6 =	simm.s32 $0x108;
	_ =	swait.ge @!p0 [sflag:s8], $0x0  }
0x24: {  	s3 =	sadd.s32 $0x88, s3;
	s6 =	simm.s32 @!p1 $0x1082;
	[sflag:s4] =	ssyncset.s32 $0xFFFFF086  }
0x25: {  	[simem:s6], [sflag:s4] =	dma.local [hbm:s3], $0xF7A  }
0x26: {  	[smem:$0x3F9F] =	sst s1;
	(tag) =	ssettag s2;
	_ =	strace s9  }
0x27: {  	s1 =	sld [smem:$0x3FAF]  }
0x28: {  	s2 =	sld [smem:$0x3FB0]  }
0x29: {  	s4 =	sld [smem:$0x3FB2]  }
0x2a: {  	p0 =	seq.s32 s5, $0x0;
	s5 =	sld [smem:$0x3FB3]  }
0x2b: {  	s6 =	sld [smem:$0x3FB4]  }
0x2c: {  	s7 =	sld [smem:$0x3FB5]  }
0x2d: {  	s3 =	simm.s32 $0x108;
	s8 =	sld [smem:$0x3FB6]  }
0x2e: {  	s3 =	simm.s32 @!p0 $0x1082;
	s9 =	sld [smem:$0x3FB7]  }
0x2f: {  	lr =	sadd.s32 s0, s3;
	s0 =	sld [smem:$0x3FAE]  }
0x30: {  	s3 =	sld [smem:$0x3FB1]  }
0x31: {  	[smem:$0x3FBA] =	sst s10  }
0x32: {  	s10 =	sld [smem:$0x3FB8];
	_ =	sdelay $0x3  }
0x33: {  	p0 =	seq.s32 s10, $0x1;
	s10 =	sld [smem:$0x3FBA];
	_ =	sdelay $0x3  }
0x34: {  	[smem:$0x3FBA] =	sst s10  }
0x35: {  	s10 =	sld [smem:$0x3FB9];
	_ =	sdelay $0x3  }
0x36: {  	p1 =	seq.s32 s10, $0x1;
	s10 =	sld [smem:$0x3FBA];
	_ =	sdelay $0x3  }
0x37: {  	[smem:$0x3FBA] =	sst s10  }
0x38: {  	s10 =	sld [smem:$0x3FBB]  }
0x39: {  	_ = 	snop;
	(pc) =	sbr.ind lr, $3  }
0x3a: {  	_ = 	snop  }
0x3b: {  	_ = 	snop  }
0x3c: {  	p2 =	seq.s32 s10, $0x1;
	s10 =	sld [smem:$0x3FBA]  }
0x3d: {  	_ =	shalt  }
0x3e: {  	_ =	shalt  }
0x3f: {  	_ =	shalt  }
0x40: {  	_ =	shalt  }
0x41: {  	_ =	shalt  }
0x42: {  	_ =	shalt  }
0x43: {  	_ =	shalt  }
0x44: {  	_ =	shalt  }
0x45: {  	_ =	shalt  }
0x46: {  	_ =	shalt  }
0x47: {  	_ =	shalt  }
0x48: {  	_ =	shalt  }
0x49: {  	_ =	shalt  }
0x4a: {  	_ =	shalt  }
0x4b: {  	_ =	shalt  }
0x4c: {  	_ =	shalt  }
0x4d: {  	_ =	shalt  }
0x4e: {  	_ =	shalt  }
0x4f: {  	_ =	shalt  }
0x50: {  	_ =	shalt  }
0x51: {  	_ =	shalt  }
0x52: {  	_ =	shalt  }
0x53: {  	_ =	shalt  }
0x54: {  	_ =	shalt  }
0x55: {  	_ =	shalt  }
0x56: {  	_ =	shalt  }
0x57: {  	_ =	shalt  }
0x58: {  	_ =	shalt  }
0x59: {  	_ =	shalt  }
0x5a: {  	_ =	shalt  }
0x5b: {  	_ =	shalt  }
0x5c: {  	_ =	shalt  }
0x5d: {  	_ =	shalt  }
0x5e: {  	_ =	shalt  }
0x5f: {  	_ =	shalt  }
0x60: {  	_ =	shalt  }
0x61: {  	_ =	shalt  }
0x62: {  	_ =	shalt  }
0x63: {  	_ =	shalt  }
0x64: {  	_ =	shalt  }
0x65: {  	_ =	shalt  }
0x66: {  	_ =	shalt  }
0x67: {  	_ =	shalt  }
0x68: {  	_ =	shalt  }
0x69: {  	_ =	shalt  }
0x6a: {  	_ =	shalt  }
0x6b: {  	_ =	shalt  }
0x6c: {  	_ =	shalt  }
0x6d: {  	_ =	shalt  }
0x6e: {  	_ =	shalt  }
0x6f: {  	_ =	shalt  }
0x70: {  	_ =	shalt  }
0x71: {  	_ =	shalt  }
0x72: {  	_ =	shalt  }
0x73: {  	_ =	shalt  }
0x74: {  	_ =	shalt  }
0x75: {  	_ =	shalt  }
0x76: {  	_ =	shalt  }
0x77: {  	_ =	shalt  }
0x78: {  	_ =	shalt  }
0x79: {  	_ =	shalt  }
0x7a: {  	_ =	shalt  }
0x7b: {  	_ =	shalt  }
0x7c: {  	_ =	shalt  }
0x7d: {  	_ =	shalt  }
0x7e: {  	_ =	shalt  }
0x7f: {  	_ =	shalt  }
0x80: {  	_ =	shalt  }
0x81: {  	_ =	shalt  }
0x82: {  	_ =	shalt  }
0x83: {  	_ =	shalt  }
0x84: {  	_ =	shalt  }
0x85: {  	_ =	shalt  }
0x86: {  	_ =	shalt  }
0x87: {  	_ =	shalt  }
.Lfunc_end0:
.L_simem_size_0:
called_computation_lowered:
.L_overlay_start_0:
0x88: {  	s2 =	sld [smem:$0x3FD9]  }
0x89: {  	s3 =	sld [smem:$0x3FFE];
	_ =	sdelay $0x1  }
0x8a: {  	s1 =	srdreg.scid  }
0x8b: {  	s0 =	sand.u32 $0x1, s1  }
0x8c: {  	s17 =	sshll.u32 s0, $0xA;
	s2 =	sadd.s32 s3, s2  }
0x8d: {  	s2 =	sadd.s32 s2, s17  }
0x8e: {  	[smem:$0x3FC6] =	sst s2  }
0x8f: {  	_ = 	snop  }
0x90: {  	s2 =	sld [smem:$0x3FC9]  }
0x91: {  	s18 =	sld [smem:$0x3FD0];
	(tm) =	ssettm $0x1  }
0x92: {  	s4 =	sld [smem:$0x3FFB];
	_ =	sdelay $0x3  }
0x93: {  	_ =	strace s4  }
0x94: {  	s4 =	sld [smem:$0x3FFC];
	_ =	sdelay $0x3  }
0x95: {  	_ =	strace s4  }
0x96: {  	s4 =	sld [smem:$0x3FFD];
	_ =	sdelay $0x3  }
0x97: {  	_ =	strace s4  }
0x98: {  	_ =	strace $0x8FFFFFFF  }
0x99: {  	s19 =	sld [smem:$0x3FDB];
	_ =	sdelay $0x1  }
0x9a: {  	s5 =	simm.s32 $_scs_section_size  }
0x9b: {  	s6 =	simm.s32 $_size__tile_overlayer_lowered;
	s7 =	simm.s32 $_tile_overlayer_lowered  }
0x9c: {  	s22 =	simm.s32 $0x1BFF;
	s21 =	sshll.u32 s7, $0x1;
	s4 =	sadd.s32 s5, s19  }
0x9d: {  	s8 =	simm.s32 $0x0;
	s20 =	sshll.u32 s6, $0x1;
	s6 =	sadd.s32 s21, s4  }
0x9e: {  	[timem:s8], [sflag:s22] =	dma.local [hbm:s6], s20  }
0x9f: {  	_ =	swait.ge [sflag:s22], s20  }
0xa0: {  	s5 =	ssub.s32 $0x0, s20;
	[sflag:s22] =	ssyncset.done $0x0  }
0xa1: {  	[sflag:s22] =	ssyncadd.s32 s5;
	_ =	sdelay $0x1  }
0xa2: {  	s23 =	simm.s32 $0x1B8B  }
0xa3: {  	_ =	swait.ge [sflag:s23], $0x1  }
0xa4: {  	[sflag:s23] =	ssyncset.done $0x0  }
0xa5: {  	s25 =	simm.s32 $0x1B8E;
	s24 =	sld [smem:$0x3FFE];
	[sflag:s23] =	ssyncadd.s32 $0xFFFFFFFF  }
0xa6: {  	s26 =	simm.s32 $execute0_lowered;
	[smem:$0x3FD2] =	sst s25  }
0xa7: {  	s6 =	sshll.u32 s26, $0x1;
	_ =	strace $0x80000046;
	[dreg:$0x1] =	wrdreg $0xFFFFFFFF  }
0xa8: {  	s28 =	simm.s32 $_size_execute0_lowered;
	s4 =	sadd.s32 s4, s6;
	[dreg:$0x0] =	wrdreg $0x0  }
0xa9: {  	s6 =	sshll.u32 s28, $0x1;
	[dreg:$0x2] =	wrdreg s4  }
0xaa: {  	[dreg:$0x3] =	wrdreg s6  }
0xab: {  	[dreg:$0x4] =	wrdreg $0xC0  }
0xac: {  	_ =	task [dreg:s8], $0x5FFFF  }
0xad: {  	[dreg:$0x1] =	wrdreg $0xFFFFFFFF  }
0xae: {  	[dreg:$0x0] =	wrdreg $0x60  }
0xaf: {  	[dreg:$0x2] =	wrdreg s2  }
0xb0: {  	[dreg:$0x3] =	wrdreg s24  }
0xb1: {  	[dreg:$0x4] =	wrdreg s18  }
0xb2: {  	[dreg:$0x5] =	wrdreg $0x9  }
0xb3: {  	_ =	task.clear_ibuf [dreg:s8], $0x6FFFF;
	_ =	strace $0x90000046  }
0xb4: {  	s29 =	simm.s32 $0x9;
	_ =	strace $0x80000048  }
0xb5: {  	_ =	swait.ge [sflag:s29], $0x1  }
0xb6: {  	[sflag:s29] =	ssyncadd.s32 $0xFFFFFFFF  }
0xb7: {  	_ =	strace $0x90000048  }
0xb8: {  	_ =	sfence  }
0xb9: {  	s30 =	sld [smem:$0x0];
	_ =	sdelay $0x2  }
0xba: {  	s31 =	sshll.u32 s1, $0xD;
	s1 =	sshrl.u32 s1, $0x2  }
0xbb: {  	s3 =	sand.u32 $0x4000, s31;
	s1 =	sadd.s32 s1, s30  }
0xbc: {  	s0 =	sor.u32 s3, s0;
	s1 =	sshll.u32 s1, $0x11  }
0xbd: {  	s0 =	sor.u32 s1, s0  }
0xbe: {  	s0 =	sadd.s32 $0x8F2B, s0  }
0xbf: {  	[sflag:s0] =	ssyncadd.remote.s32 $0x1  }
0xc0: {  	_ =	sfence.sel $0xFFFF  }
0xc1: {  	[dreg:$0x0] =	wrdreg $0xFFFFFFFF;
	(pc) =	sbr.abs _section_cstart, $3  }
0xc2: {  	[dreg:$0x1] =	wrdreg $0xFFFFFFFF  }
0xc3: {  	_ =	task.clear_ibuf [dreg:s8], $0x2FFFF;
	_ =	strace $0x9FFFFFFF  }
0xc4: {  	(tm) =	ssettm $0x7FFFFFFF  }
0xc5: {  	_ =	shalt  }
tec
execute0_lowered:
.L_overlay_start_1:
0x0: {  	(tag) =	ssettag $0x1  }
0x1: {  	s1 =	rddreg [dreg:$0x0]  }
0x2: {  	s6 =	rddreg [dreg:$0x1]  }
0x3: {  	s2 =	rddreg [dreg:$0x2]  }
0x4: {  	s4 =	simm.s32 $0x0;
	s7 =	srdreg.scid;
	s3 =	stileid.u32  }
0x5: {  	s14 =	simm.s32 $0x200;
	s15 =	simm.s32 $0x4200;
	s16 =	simm.s32 $0x100  }
0x6: {  	s17 =	simm.s32 $0x3;
	s18 =	simm.s32 $0x4;
	s19 =	simm.s32 $0x1  }
0x7: {  	s20 =	simm.s32 $0x8200;
	s21 =	simm.s32 $0x2;
	s22 =	simm.s32 $0xC200  }
0x8: {  	s23 =	simm.s32 $0x0;
	[smem:$0x7FF] =	sst s4;
	s5 =	sadd.s32 $0x800, s6  }
0x9: {  	s7 =	sand.u32 $0x1, s7;
	s8 =	sshll.u32 s3, $0x1;
	s6 =	sadd.s32 $0x600, s6  }
0xa: {  	s28 =	sshll.u32 s3, $0x14;
	s9 =	ssub.s32 $0x2, s7;
	s8 =	sand.u32 $0x2, s8  }
0xb: {  	_ =	strace $0x80000047;
	s10 =	sshrl.u32 s9, $0x1;
	s7 =	sor.u32 s7, s8  }
0xc: {  	s8 =	sand.u32 $0xE00000, s28;
	s13 =	ssub.s32 s9, s10;
	s29 =	sshll.u32 s7, $0x13  }
.Ltmp0:
0xd: {  	s30 =	sshll.u32 s7, $0x10;
	s11 =	sshrl.u32 s8, $0x3;
	(pc) =	sbr.rel .LBB2_1-.Ltmp0, $4  }
0xe: {  	s7 =	sor.u32 s8, s29;
	s31 =	sadd.s32 s1, s11;
	s11 =	sor.u32 s30, s11  }
0xf: {  	s13 =	smax.u32 s13, $0x1;
	s9 =	sshrl.u32 s7, $0x3;
	s8 =	sadd.s32 s30, s31  }
0x10: {  	s11 =	sadd.s32 s11, s2;
	s10 =	sor.u32 $0x8000, s7;
	s9 =	sadd.s32 s9, s1  }
0x11: {  	s12 =	sor.u32 $0xC000, s7;
	s11 =	sadd.s32 $0x800, s11;
	s9 =	sadd.s32 $0x800, s9  }
.LBB2_12:
0x12: {  	s23 =	sadd.s32 $0x1, s23  }
0x13: {  	_ =	swait.ge [sflag:s17], $0x4000;
	p0 =	sne.s32 s23, s13  }
.Ltmp1:
0x14: {  	[sflag:s17] =	ssyncset.done $0x0;
	(pc) =	sbr.rel @!p0 .LBB2_13-.Ltmp1, $4  }
0x15: {  	[sflag:s17] =	ssyncadd.s32 $0xFFFFC000  }
0x16: {  	_ =	swait.ge [sflag:s18], $0x4000  }
0x17: {  	[sflag:s18] =	ssyncset.done $0x0  }
0x18: {  	[sflag:s18] =	ssyncadd.s32 $0xFFFFC000  }
.LBB2_1:
0x19: {  	[tilespmem:s14], [sflag:$0x1] =	stream.linear.gather [hbm4b:s8+s4], $0x4000, $0x38;
	[tilespmem:$0x10200] =	vst v63  }
0x1a: {  	_ = 	snop  }
0x1b: {  	[tilespmem:s15], [sflag:$0x2] =	stream.linear.gather [hbm4b:s9+s4], $0x4000, $0x38;
	[tilespmem:$0x10200] =	vst v63  }
0x1c: {  	_ = 	snop  }
0x1d: {  	[tilespmem:s4], [sflag:$0x3] =	stream.linear.gather [hbm4b:s5+s4], $0x100, $0x38;
	[tilespmem:$0x10200] =	vst v63  }
0x1e: {  	_ = 	snop  }
0x1f: {  	[tilespmem:s16], [sflag:$0x4] =	stream.linear.gather [hbm4b:s6+s4], $0x100, $0x38;
	[tilespmem:$0x10200] =	vst v63  }
0x20: {  	_ =	swait.ge [sflag:s17], $0x100  }
0x21: {  	[sflag:s17] =	ssyncset.done $0x0  }
0x22: {  	[sflag:s17] =	ssyncadd.s32 $0xFFFFFF00  }
0x23: {  	_ =	swait.ge [sflag:s18], $0x100  }
0x24: {  	[sflag:s18] =	ssyncset.done $0x0  }
0x25: {  	s24 =	simm.s32 $0x0;
	[sflag:s18] =	ssyncadd.s32 $0xFFFFFF00  }
.LBB2_2:
0x26: {  	_ =	swait.ge [sflag:s19], $0x4000  }
0x27: {  	p0 =	seq.s32 s24, $0x0;
	[sflag:s19] =	ssyncset.done $0x0  }
0x28: {  	s25 =	simm.s32 @!p0 $0x3;
	[sflag:s19] =	ssyncadd.s32 $0xFFFFC000  }
0x29: {  	s26 =	simm.s32 $0x0;
	s28 =	simm.s32 $0x0;
	_ =	swait.ge @!p0 [sflag:s25], $0x4000  }
0x2a: {  	s28 =	sand.u32 $0x380, s28;
	s26 =	sand.u32 $0x3C00, s26;
	[sflag:s25] =	ssyncset.done @!p0 $0x0  }
0x2b: {  	s26 =	sor.u32 s28, s26;
	[sflag:s25] =	ssyncadd.s32 @!p0 $0xFFFFC000  }
0x2c: {  	v0 =	vld [tilespmem:s26+$0x270]  }
0x2d: {  	s29 =	simm.s32 $0x8;
	s30 =	simm.s32 $0x400  }
0x2e: {  	s31 =	sand.u32 $0x380, s29;
	s28 =	sand.u32 $0x3C00, s30;
	v1 =	vld [tilespmem:s26+$0x200]  }
0x2f: {  	s28 =	sor.u32 s31, s28;
	v3 =	vld [tilespmem:s26+$0x220]  }
0x30: {  	v15 =	vld [tilespmem:s28+$0x200]  }
0x31: {  	v23 =	vld [tilespmem:s28+$0x260];
	v0 =	vmul.f32 $4.250000000e+01, v0  }
0x32: {  	v2 =	vld [tilespmem:s26+$0x210]  }
0x33: {  	v4 =	vld [tilespmem:s26+$0x230];
	v0 =	vadd.f32 $1.275000000e+02, v0  }
0x34: {  	v5 =	vld [tilespmem:s26+$0x240];
	v1 =	vmul.f32 $4.250000000e+01, v1  }
0x35: {  	v6 =	vld [tilespmem:s26+$0x250];
	v3 =	vmul.f32 $4.250000000e+01, v3;
	v15 =	vmul.f32 $4.250000000e+01, v15;
	v0 =	vmax.f32 v0, $0.0e+00  }
0x36: {  	v7 =	vld [tilespmem:s26+$0x260];
	v23 =	vmul.f32 $4.250000000e+01, v23;
	v1 =	vadd.f32 $1.275000000e+02, v1;
	v8 =	vmin.f32 v0, $2.550000000e+02  }
0x37: {  	v3 =	vadd.f32 $1.275000000e+02, v3;
	v0 =	vmul.f32 $4.250000000e+01, v2;
	v2 =	vtrunc.f32 v8  }
0x38: {  	v15 =	vadd.f32 $1.275000000e+02, v15;
	v9 =	vcvt.f32.s32 v2;
	v2 =	vmul.f32 $4.250000000e+01, v4  }
0x39: {  	v1 =	vmax.f32 v1, $0.0e+00;
	v4 =	vmul.f32 $4.250000000e+01, v5;
	v0 =	vadd.f32 $1.275000000e+02, v0  }
0x3a: {  	v3 =	vmax.f32 v3, $0.0e+00;
	v5 =	vmul.f32 $4.250000000e+01, v6;
	v2 =	vadd.f32 $1.275000000e+02, v2  }
0x3b: {  	v6 =	vmul.f32 $4.250000000e+01, v7;
	v4 =	vadd.f32 $1.275000000e+02, v4;
	v7 =	vmax.f32 v0, $0.0e+00  }
0x3c: {  	v17 =	vld [tilespmem:s28+$0x210];
	v0 =	vmin.f32 v1, $2.550000000e+02;
	v1 =	vmin.f32 v7, $2.550000000e+02;
	v10 =	vmax.f32 v2, $0.0e+00  }
0x3d: {  	v7 =	vtrunc.f32 v0;
	v2 =	vmin.f32 v3, $2.550000000e+02;
	v3 =	vmin.f32 v10, $2.550000000e+02;
	v10 =	vld [tilespmem:s28+$0x270]  }
0x3e: {  	v6 =	vadd.f32 $1.275000000e+02, v6;
	v4 =	vmax.f32 v4, $0.0e+00;
	v19 =	vcvt.f32.s32 v7;
	v11 =	vld.idx.msk [tilespmem:v9+s16+$0x0], $0xffff  }
0x3f: {  	v4 =	vmin.f32 v4, $2.550000000e+02;
	v13 =	vtrunc.f32 v2;
	v12 =	vld.idx.msk [tilespmem:v9+s4+$0x0], $0xffff;
	v9 =	vtrunc.f32 v1  }
0x40: {  	v5 =	vadd.f32 $1.275000000e+02, v5;
	v16 =	vtrunc.f32 v4;
	v25 =	vcvt.f32.s32 v13;
	v13 =	vld [tilespmem:s28+$0x230]  }
0x41: {  	v6 =	vmax.f32 v6, $0.0e+00;
	v22 =	vcvt.f32.s32 v9;
	v9 =	vcvt.f32.s32 v16;
	v16 =	vld [tilespmem:s28+$0x250]  }
0x42: {  	v18 =	vld [tilespmem:s28+$0x220];
	v33 =	vadd.f32 $1.275000000e+02, v23;
	v6 =	vmin.f32 v6, $2.550000000e+02;
	v14 =	vtrunc.f32 v3  }
0x43: {  	v5 =	vmax.f32 v5, $0.0e+00;
	v20 =	vtrunc.f32 v6;
	v10 =	vmul.f32 $4.250000000e+01, v10  }
0x44: {  	v5 =	vmin.f32 v5, $2.550000000e+02;
	v28 =	vcvt.f32.s32 v14;
	v14 =	vld [tilespmem:s28+$0x240];
	v11 =	vmul.f32 v8, v11  }
0x45: {  	v7 =	vtrunc.f32 v5;
	v27 =	vld.idx.msk [tilespmem:v19+s4+$0x0], $0xffff;
	v8 =	vcvt.f32.s32 v20;
	v21 =	vadd.f32 $1.275000000e+02, v10  }
0x46: {  	v20 =	vmul.f32 $4.250000000e+01, v13;
	v10 =	vld.idx.msk [tilespmem:v19+s16+$0x0], $0xffff;
	v16 =	vmul.f32 $4.250000000e+01, v16;
	v30 =	vadd.f32 v11, v12  }
0x47: {  	v13 =	vld.idx.msk [tilespmem:v25+s16+$0x0], $0xffff;
	v12 =	vmul.f32 $4.250000000e+01, v17;
	v17 =	vmul.f32 $4.250000000e+01, v18;
	v18 =	vmax.f32 v21, $0.0e+00  }
0x48: {  	v15 =	vmax.f32 v15, $0.0e+00;
	v7 =	vcvt.f32.s32 v7;
	v25 =	vld.idx.msk [tilespmem:v25+s4+$0x0], $0xffff;
	v21 =	vmin.f32 v18, $2.550000000e+02  }
0x49: {  	v11 =	vld.idx.msk [tilespmem:v22+s16+$0x0], $0xffff;
	v26 =	vadd.f32 $1.275000000e+02, v20;
	v16 =	vadd.f32 $1.275000000e+02, v16;
	v18 =	vtrunc.f32 v21  }
0x4a: {  	v24 =	vadd.f32 $1.275000000e+02, v17;
	v17 =	vmul.f32 $4.250000000e+01, v14;
	v14 =	vld.idx.msk [tilespmem:v28+s16+$0x0], $0xffff;
	v37 =	vcvt.f32.s32 v18  }
0x4b: {  	v33 =	vmax.f32 v33, $0.0e+00;
	v12 =	vadd.f32 $1.275000000e+02, v12;
	v32 =	vmax.f32 v26, $0.0e+00;
	v26 =	vld.idx.msk [tilespmem:v22+s4+$0x0], $0xffff  }
0x4c: {  	v28 =	vld.idx.msk [tilespmem:v28+s4+$0x0], $0xffff;
	v16 =	vmax.f32 v16, $0.0e+00;
	v19 =	vmin.f32 v32, $2.550000000e+02;
	v29 =	vadd.f32 $1.275000000e+02, v17  }
0x4d: {  	v18 =	vld.idx.msk [tilespmem:v9+s16+$0x0], $0xffff;
	v12 =	vmax.f32 v12, $0.0e+00;
	v31 =	vmax.f32 v24, $0.0e+00;
	v24 =	vmin.f32 v15, $2.550000000e+02  }
0x4e: {  	v17 =	vld.idx.msk [tilespmem:v7+s16+$0x0], $0xffff;
	v32 =	vtrunc.f32 v19;
	v23 =	vmin.f32 v12, $2.550000000e+02;
	v22 =	vmin.f32 v31, $2.550000000e+02  }
0x4f: {  	v20 =	vld.idx.msk [tilespmem:v8+s16+$0x0], $0xffff;
	v36 =	vtrunc.f32 v24;
	v12 =	vmin.f32 v16, $2.550000000e+02;
	v15 =	vmax.f32 v29, $0.0e+00  }
0x50: {  	v31 =	vtrunc.f32 v23;
	v34 =	vtrunc.f32 v22;
	v15 =	vmin.f32 v15, $2.550000000e+02;
	v29 =	vld.idx.msk [tilespmem:v37+s16+$0x0], $0xffff  }
0x51: {  	s25 =	sshll.u32 s24, $0xF;
	[tilespmem:s26+$0x8270] =	vst v30;
	v16 =	vmin.f32 v33, $2.550000000e+02;
	v33 =	vtrunc.f32 v12;
	v35 =	vtrunc.f32 v15;
	v30 =	vld.idx.msk [tilespmem:v37+s4+$0x0], $0xffff  }
.LBB2_3:
0x52: {  	s29 =	sadd.s32 $0x8, s29;
	v36 =	vcvt.f32.s32 v36;
	v37 =	vtrunc.f32 v16;
	s30 =	sadd.s32 $0x400, s30;
	v38 =	vld.idx.msk [tilespmem:v9+s4+$0x0], $0xffff  }
0x53: {  	v31 =	vcvt.f32.s32 v31;
	v34 =	vcvt.f32.s32 v34;
	s31 =	sand.u32 $0x380, s29;
	s0 =	sand.u32 $0x3C00, s30;
	p1 =	slt.u32 s29, $0x3F8;
	v39 =	vld.idx.msk [tilespmem:v7+s4+$0x0], $0xffff  }
0x54: {  	v40 =	vcvt.f32.s32 v32;
	v9 =	vcvt.f32.s32 v35;
	s31 =	sor.u32 s31, s0;
	v32 =	vld.idx.msk [tilespmem:v8+s4+$0x0], $0xffff  }
0x55: {  	v7 =	vcvt.f32.s32 v33;
	v21 =	vmul.f32 v21, v29;
	v35 =	vld [tilespmem:s31+$0x270]  }
0x56: {  	v10 =	vmul.f32 v0, v10;
	v0 =	vmov v24;
	v8 =	vcvt.f32.s32 v37;
	v29 =	vld [tilespmem:s31+$0x200]  }
0x57: {  	v11 =	vmul.f32 v1, v11;
	v13 =	vmul.f32 v2, v13;
	v1 =	vmovc v23;
	v21 =	vadd.f32 v21, v30;
	v24 =	vld [tilespmem:s31+$0x210]  }
0x58: {  	v2 =	vmovc v22;
	v10 =	vadd.f32 v10, v27;
	v27 =	vmul.f32 v3, v14;
	v30 =	vmul.f32 v4, v18;
	v23 =	vld [tilespmem:s31+$0x220]  }
0x59: {  	v33 =	vmul.f32 v6, v20;
	v11 =	vadd.f32 v11, v26;
	v26 =	vmul.f32 v5, v17;
	v14 =	vld [tilespmem:s31+$0x230];
	[tilespmem:s28+$0x8270] =	vst v21  }
0x5a: {  	v3 =	vmovc v19;
	v17 =	vld [tilespmem:s31+$0x240];
	v18 =	vmul.f32 $4.250000000e+01, v35;
	[tilespmem:s26+$0x8200] =	vst v10;
	v10 =	vadd.f32 v13, v25;
	v13 =	vadd.f32 v27, v28  }
0x5b: {  	v4 =	vmovc v15;
	v22 =	vadd.f32 v26, v39;
	v21 =	vadd.f32 v30, v38;
	v19 =	vmul.f32 $4.250000000e+01, v29;
	v20 =	vld [tilespmem:s31+$0x250];
	[tilespmem:s26+$0x8210] =	vst v11  }
0x5c: {  	v6 =	vmovc v16;
	v5 =	vmovc v12;
	v11 =	vmul.f32 $4.250000000e+01, v24;
	v15 =	vld [tilespmem:s31+$0x260];
	v18 =	vadd.f32 $1.275000000e+02, v18;
	[tilespmem:s26+$0x8220] =	vst v10;
	v24 =	vadd.f32 v33, v32  }
0x5d: {  	v12 =	vadd.f32 $1.275000000e+02, v19;
	v16 =	vmul.f32 $4.250000000e+01, v23;
	v10 =	vld.idx.msk [tilespmem:v36+s16+$0x0], $0xffff;
	[tilespmem:s26+$0x8230] =	vst v13  }
0x5e: {  	v19 =	vadd.f32 $1.275000000e+02, v11;
	v14 =	vmul.f32 $4.250000000e+01, v14;
	v13 =	vmax.f32 v18, $0.0e+00;
	v11 =	vld.idx.msk [tilespmem:v31+s16+$0x0], $0xffff;
	[tilespmem:s26+$0x8240] =	vst v21  }
0x5f: {  	v16 =	vadd.f32 $1.275000000e+02, v16;
	v17 =	vmul.f32 $4.250000000e+01, v17;
	v21 =	vmin.f32 v13, $2.550000000e+02;
	v13 =	vld.idx.msk [tilespmem:v34+s16+$0x0], $0xffff;
	[tilespmem:s26+$0x8250] =	vst v22  }
0x60: {  	v22 =	vadd.f32 $1.275000000e+02, v14;
	v20 =	vmul.f32 $4.250000000e+01, v20;
	v18 =	vtrunc.f32 v21;
	v14 =	vld.idx.msk [tilespmem:v40+s16+$0x0], $0xffff;
	[tilespmem:s26+$0x8260] =	vst v24;
	s26 =	smov.u32 s28;
	s28 =	smov.u32 s31  }
0x61: {  	v23 =	vadd.f32 $1.275000000e+02, v17;
	v15 =	vmul.f32 $4.250000000e+01, v15;
	v30 =	vcvt.f32.s32 v18;
	v18 =	vld.idx.msk [tilespmem:v9+s16+$0x0], $0xffff  }
0x62: {  	v12 =	vmax.f32 v12, $0.0e+00;
	v19 =	vmax.f32 v19, $0.0e+00;
	v25 =	vadd.f32 $1.275000000e+02, v20;
	v17 =	vld.idx.msk [tilespmem:v7+s16+$0x0], $0xffff  }
0x63: {  	v16 =	vmax.f32 v16, $0.0e+00;
	v28 =	vmax.f32 v22, $0.0e+00;
	v15 =	vadd.f32 $1.275000000e+02, v15;
	v20 =	vld.idx.msk [tilespmem:v8+s16+$0x0], $0xffff  }
0x64: {  	v24 =	vmin.f32 v12, $2.550000000e+02;
	v12 =	vmax.f32 v23, $0.0e+00;
	v25 =	vmax.f32 v25, $0.0e+00;
	v27 =	vld.idx.msk [tilespmem:v36+s4+$0x0], $0xffff  }
.Ltmp2:
0x65: {  	v22 =	vmin.f32 v16, $2.550000000e+02;
	v23 =	vmin.f32 v19, $2.550000000e+02;
	v16 =	vmax.f32 v15, $0.0e+00;
	v26 =	vld.idx.msk [tilespmem:v31+s4+$0x0], $0xffff;
	(pc) =	sbr.rel @p1 .LBB2_3-.Ltmp2, $4  }
0x66: {  	v19 =	vmin.f32 v28, $2.550000000e+02;
	v15 =	vmin.f32 v12, $2.550000000e+02;
	v12 =	vmin.f32 v25, $2.550000000e+02;
	v25 =	vld.idx.msk [tilespmem:v34+s4+$0x0], $0xffff  }
0x67: {  	v36 =	vtrunc.f32 v24;
	v31 =	vtrunc.f32 v23;
	v16 =	vmin.f32 v16, $2.550000000e+02;
	v29 =	vld.idx.msk [tilespmem:v30+s16+$0x0], $0xffff  }
0x68: {  	v32 =	vtrunc.f32 v19;
	v34 =	vtrunc.f32 v22;
	v28 =	vld.idx.msk [tilespmem:v40+s4+$0x0], $0xffff  }
0x69: {  	v35 =	vtrunc.f32 v15;
	v33 =	vtrunc.f32 v12;
	v30 =	vld.idx.msk [tilespmem:v30+s4+$0x0], $0xffff  }
0x6a: {  	_ = 	snop  }
0x6b: {  	v36 =	vcvt.f32.s32 v36  }
0x6c: {  	v31 =	vcvt.f32.s32 v31  }
0x6d: {  	v34 =	vcvt.f32.s32 v34  }
0x6e: {  	v9 =	vld.idx.msk [tilespmem:v9+s4+$0x0], $0xffff;
	v32 =	vcvt.f32.s32 v32  }
0x6f: {  	v7 =	vld.idx.msk [tilespmem:v7+s4+$0x0], $0xffff;
	v35 =	vcvt.f32.s32 v35  }
0x70: {  	v8 =	vld.idx.msk [tilespmem:v8+s4+$0x0], $0xffff;
	v33 =	vcvt.f32.s32 v33  }
0x71: {  	v38 =	vld.idx.msk [tilespmem:v36+s16+$0x0], $0xffff  }
0x72: {  	v39 =	vld.idx.msk [tilespmem:v31+s16+$0x0], $0xffff  }
0x73: {  	v0 =	vmul.f32 v0, v10;
	v43 =	vld.idx.msk [tilespmem:v34+s16+$0x0], $0xffff  }
0x74: {  	v1 =	vmul.f32 v1, v11;
	v44 =	vld.idx.msk [tilespmem:v32+s16+$0x0], $0xffff  }
0x75: {  	v37 =	vtrunc.f32 v16;
	v2 =	vmul.f32 v2, v13;
	v0 =	vadd.f32 v0, v27;
	v45 =	vld.idx.msk [tilespmem:v35+s16+$0x0], $0xffff  }
0x76: {  	v3 =	vmul.f32 v3, v14;
	v37 =	vcvt.f32.s32 v37;
	v1 =	vadd.f32 v1, v26;
	v46 =	vld.idx.msk [tilespmem:v33+s16+$0x0], $0xffff  }
0x77: {  	v21 =	vmul.f32 v21, v29;
	v48 =	vadd.f32 v2, v25;
	[tilespmem:s26+$0x8200] =	vst v0;
	v49 =	vld.idx.msk [tilespmem:v36+s4+$0x0], $0xffff  }
0x78: {  	v4 =	vmul.f32 v4, v18;
	v3 =	vadd.f32 v3, v28;
	[tilespmem:s26+$0x8210] =	vst v1;
	v50 =	vld.idx.msk [tilespmem:v31+s4+$0x0], $0xffff  }
0x79: {  	v5 =	vmul.f32 v5, v17;
	v21 =	vadd.f32 v21, v30;
	[tilespmem:s26+$0x8220] =	vst v48;
	v51 =	vld.idx.msk [tilespmem:v34+s4+$0x0], $0xffff  }
0x7a: {  	v6 =	vmul.f32 v6, v20;
	v4 =	vadd.f32 v4, v9;
	[tilespmem:s26+$0x8230] =	vst v3;
	v52 =	vld.idx.msk [tilespmem:v32+s4+$0x0], $0xffff  }
0x7b: {  	v5 =	vadd.f32 v5, v7;
	[tilespmem:s28+$0x8270] =	vst v21;
	v54 =	vld.idx.msk [tilespmem:v35+s4+$0x0], $0xffff;
	v53 =	vmul.f32 v24, v38  }
0x7c: {  	v6 =	vadd.f32 v6, v8;
	v47 =	vld.idx.msk [tilespmem:v37+s16+$0x0], $0xffff;
	[tilespmem:s26+$0x8240] =	vst v4;
	v55 =	vmul.f32 v23, v39  }
0x7d: {  	v56 =	vld.idx.msk [tilespmem:v33+s4+$0x0], $0xffff;
	[tilespmem:s26+$0x8250] =	vst v5;
	v57 =	vmul.f32 v22, v43;
	v2 =	vadd.f32 v53, v49  }
0x7e: {  	[tilespmem:s26+$0x8260] =	vst v6;
	v58 =	vld.idx.msk [tilespmem:v37+s4+$0x0], $0xffff;
	v59 =	vmul.f32 v19, v44;
	v1 =	vadd.f32 v55, v50  }
0x7f: {  	v60 =	vmul.f32 v15, v45;
	v0 =	vadd.f32 v57, v51;
	[tilespmem:s28+$0x8200] =	vst v2  }
0x80: {  	v61 =	vmul.f32 v12, v46;
	v3 =	vadd.f32 v59, v52;
	[tilespmem:s28+$0x8210] =	vst v1  }
0x81: {  	p1 =	sne.s32 s24, $0xF;
	v62 =	vmul.f32 v16, v47;
	v4 =	vadd.f32 v60, v54;
	[tilespmem:s28+$0x8220] =	vst v0  }
.Ltmp3:
0x82: {  	v63 =	vadd.f32 v61, v56;
	[tilespmem:s28+$0x8230] =	vst v3;
	(pc) =	sbr.rel @p1 .LBB2_6-.Ltmp3, $4  }
0x83: {  	s0 =	sor.u32 s25, s7;
	v1 =	vadd.f32 v62, v58;
	[tilespmem:s28+$0x8240] =	vst v4  }
0x84: {  	s0 =	sshrl.u32 s0, $0x3;
	[tilespmem:s28+$0x8250] =	vst v63  }
0x85: {  	s0 =	sadd.s32 s2, s0;
	[tilespmem:s28+$0x8260] =	vst v1  }
0x86: {  	[hbm4b:s0+s4] =	stream.linear.scatter [tilespmem:s20], [sflag:$0x3], $0x4000, $0x38;
	[tilespmem:$0x10200] =	vst v63  }
.Ltmp4:
0x87: {  	(pc) =	sbr.rel .LBB2_7-.Ltmp4, $4  }
0x88: {  	_ = 	snop  }
0x89: {  	_ =	swait.ge [sflag:s21], $0x4000  }
0x8a: {  	[sflag:s21] =	ssyncset.done $0x0  }
0x8b: {  	[sflag:s21] =	ssyncadd.s32 $0xFFFFC000  }
.LBB2_6:
0x8c: {  	s0 =	sadd.s32 s25, s10  }
0x8d: {  	s0 =	sshrl.u32 s0, $0x3  }
.Ltmp5:
0x8e: {  	s0 =	sadd.s32 s1, s0;
	(pc) =	sbr.rel @p0 .LBB2_8-.Ltmp5, $4  }
0x8f: {  	[tilespmem:s14], [sflag:$0x1] =	stream.linear.gather [hbm4b:s0+s4], $0x4000, $0x38;
	[tilespmem:$0x10200] =	vst v63  }
0x90: {  	_ =	swait.ge [sflag:s21], $0x4000  }
0x91: {  	[sflag:s21] =	ssyncset.done $0x0  }
0x92: {  	[sflag:s21] =	ssyncadd.s32 $0xFFFFC000  }
.LBB2_7:
0x93: {  	_ =	swait.ge [sflag:s18], $0x4000  }
0x94: {  	[sflag:s18] =	ssyncset.done $0x0  }
0x95: {  	[sflag:s18] =	ssyncadd.s32 $0xFFFFC000  }
.LBB2_8:
0x96: {  	s0 =	simm.s32 $0x0;
	s26 =	simm.s32 $0x0  }
0x97: {  	s26 =	sand.u32 $0x380, s26;
	s0 =	sand.u32 $0x3C00, s0  }
0x98: {  	s26 =	sor.u32 s26, s0  }
0x99: {  	v0 =	vld [tilespmem:s26+$0x4270]  }
0x9a: {  	s29 =	simm.s32 $0x8;
	s30 =	simm.s32 $0x400  }
0x9b: {  	s31 =	sand.u32 $0x380, s29;
	s28 =	sand.u32 $0x3C00, s30;
	v1 =	vld [tilespmem:s26+$0x4200]  }
0x9c: {  	s28 =	sor.u32 s31, s28;
	v3 =	vld [tilespmem:s26+$0x4220]  }
0x9d: {  	v15 =	vld [tilespmem:s28+$0x4200]  }
0x9e: {  	v23 =	vld [tilespmem:s28+$0x4260];
	v0 =	vmul.f32 $4.250000000e+01, v0  }
0x9f: {  	v2 =	vld [tilespmem:s26+$0x4210]  }
0xa0: {  	v4 =	vld [tilespmem:s26+$0x4230];
	v0 =	vadd.f32 $1.275000000e+02, v0  }
0xa1: {  	v5 =	vld [tilespmem:s26+$0x4240];
	v1 =	vmul.f32 $4.250000000e+01, v1  }
0xa2: {  	v6 =	vld [tilespmem:s26+$0x4250];
	v3 =	vmul.f32 $4.250000000e+01, v3;
	v15 =	vmul.f32 $4.250000000e+01, v15;
	v0 =	vmax.f32 v0, $0.0e+00  }
0xa3: {  	v7 =	vld [tilespmem:s26+$0x4260];
	v23 =	vmul.f32 $4.250000000e+01, v23;
	v1 =	vadd.f32 $1.275000000e+02, v1;
	v8 =	vmin.f32 v0, $2.550000000e+02  }
0xa4: {  	v3 =	vadd.f32 $1.275000000e+02, v3;
	v0 =	vmul.f32 $4.250000000e+01, v2;
	v2 =	vtrunc.f32 v8  }
0xa5: {  	v15 =	vadd.f32 $1.275000000e+02, v15;
	v9 =	vcvt.f32.s32 v2;
	v2 =	vmul.f32 $4.250000000e+01, v4  }
0xa6: {  	v1 =	vmax.f32 v1, $0.0e+00;
	v4 =	vmul.f32 $4.250000000e+01, v5;
	v0 =	vadd.f32 $1.275000000e+02, v0  }
0xa7: {  	v3 =	vmax.f32 v3, $0.0e+00;
	v5 =	vmul.f32 $4.250000000e+01, v6;
	v2 =	vadd.f32 $1.275000000e+02, v2  }
0xa8: {  	v6 =	vmul.f32 $4.250000000e+01, v7;
	v4 =	vadd.f32 $1.275000000e+02, v4;
	v7 =	vmax.f32 v0, $0.0e+00  }
0xa9: {  	v17 =	vld [tilespmem:s28+$0x4210];
	v0 =	vmin.f32 v1, $2.550000000e+02;
	v1 =	vmin.f32 v7, $2.550000000e+02;
	v10 =	vmax.f32 v2, $0.0e+00  }
0xaa: {  	v7 =	vtrunc.f32 v0;
	v2 =	vmin.f32 v3, $2.550000000e+02;
	v3 =	vmin.f32 v10, $2.550000000e+02;
	v10 =	vld [tilespmem:s28+$0x4270]  }
0xab: {  	v6 =	vadd.f32 $1.275000000e+02, v6;
	v4 =	vmax.f32 v4, $0.0e+00;
	v19 =	vcvt.f32.s32 v7;
	v11 =	vld.idx.msk [tilespmem:v9+s16+$0x0], $0xffff  }
0xac: {  	v4 =	vmin.f32 v4, $2.550000000e+02;
	v13 =	vtrunc.f32 v2;
	v12 =	vld.idx.msk [tilespmem:v9+s4+$0x0], $0xffff;
	v9 =	vtrunc.f32 v1  }
0xad: {  	v5 =	vadd.f32 $1.275000000e+02, v5;
	v16 =	vtrunc.f32 v4;
	v25 =	vcvt.f32.s32 v13;
	v13 =	vld [tilespmem:s28+$0x4230]  }
0xae: {  	v6 =	vmax.f32 v6, $0.0e+00;
	v22 =	vcvt.f32.s32 v9;
	v9 =	vcvt.f32.s32 v16;
	v16 =	vld [tilespmem:s28+$0x4250]  }
0xaf: {  	v18 =	vld [tilespmem:s28+$0x4220];
	v33 =	vadd.f32 $1.275000000e+02, v23;
	v6 =	vmin.f32 v6, $2.550000000e+02;
	v14 =	vtrunc.f32 v3  }
0xb0: {  	v5 =	vmax.f32 v5, $0.0e+00;
	v20 =	vtrunc.f32 v6;
	v10 =	vmul.f32 $4.250000000e+01, v10  }
0xb1: {  	v5 =	vmin.f32 v5, $2.550000000e+02;
	v28 =	vcvt.f32.s32 v14;
	v14 =	vld [tilespmem:s28+$0x4240];
	v11 =	vmul.f32 v8, v11  }
0xb2: {  	v7 =	vtrunc.f32 v5;
	v27 =	vld.idx.msk [tilespmem:v19+s4+$0x0], $0xffff;
	v8 =	vcvt.f32.s32 v20;
	v21 =	vadd.f32 $1.275000000e+02, v10  }
0xb3: {  	v20 =	vmul.f32 $4.250000000e+01, v13;
	v10 =	vld.idx.msk [tilespmem:v19+s16+$0x0], $0xffff;
	v16 =	vmul.f32 $4.250000000e+01, v16;
	v30 =	vadd.f32 v11, v12  }
0xb4: {  	v13 =	vld.idx.msk [tilespmem:v25+s16+$0x0], $0xffff;
	v12 =	vmul.f32 $4.250000000e+01, v17;
	v17 =	vmul.f32 $4.250000000e+01, v18;
	v18 =	vmax.f32 v21, $0.0e+00  }
0xb5: {  	v15 =	vmax.f32 v15, $0.0e+00;
	v7 =	vcvt.f32.s32 v7;
	v25 =	vld.idx.msk [tilespmem:v25+s4+$0x0], $0xffff;
	v21 =	vmin.f32 v18, $2.550000000e+02  }
0xb6: {  	v11 =	vld.idx.msk [tilespmem:v22+s16+$0x0], $0xffff;
	v26 =	vadd.f32 $1.275000000e+02, v20;
	v16 =	vadd.f32 $1.275000000e+02, v16;
	v18 =	vtrunc.f32 v21  }
0xb7: {  	v24 =	vadd.f32 $1.275000000e+02, v17;
	v17 =	vmul.f32 $4.250000000e+01, v14;
	v14 =	vld.idx.msk [tilespmem:v28+s16+$0x0], $0xffff;
	v37 =	vcvt.f32.s32 v18  }
0xb8: {  	v35 =	vmax.f32 v33, $0.0e+00;
	v12 =	vadd.f32 $1.275000000e+02, v12;
	v32 =	vmax.f32 v26, $0.0e+00;
	v26 =	vld.idx.msk [tilespmem:v22+s4+$0x0], $0xffff  }
0xb9: {  	v28 =	vld.idx.msk [tilespmem:v28+s4+$0x0], $0xffff;
	v16 =	vmax.f32 v16, $0.0e+00;
	v19 =	vmin.f32 v32, $2.550000000e+02;
	v29 =	vadd.f32 $1.275000000e+02, v17  }
0xba: {  	v18 =	vld.idx.msk [tilespmem:v9+s16+$0x0], $0xffff;
	v12 =	vmax.f32 v12, $0.0e+00;
	v31 =	vmax.f32 v24, $0.0e+00;
	v24 =	vmin.f32 v15, $2.550000000e+02  }
0xbb: {  	v17 =	vld.idx.msk [tilespmem:v7+s16+$0x0], $0xffff;
	v33 =	vtrunc.f32 v19;
	v23 =	vmin.f32 v12, $2.550000000e+02;
	v22 =	vmin.f32 v31, $2.550000000e+02  }
0xbc: {  	v20 =	vld.idx.msk [tilespmem:v8+s16+$0x0], $0xffff;
	v36 =	vtrunc.f32 v24;
	v12 =	vmin.f32 v16, $2.550000000e+02;
	v15 =	vmax.f32 v29, $0.0e+00  }
0xbd: {  	v31 =	vtrunc.f32 v23;
	v34 =	vtrunc.f32 v22;
	v15 =	vmin.f32 v15, $2.550000000e+02;
	v29 =	vld.idx.msk [tilespmem:v37+s16+$0x0], $0xffff  }
0xbe: {  	[tilespmem:s26+$0xC270] =	vst v30;
	v16 =	vmin.f32 v35, $2.550000000e+02;
	v32 =	vtrunc.f32 v12;
	v35 =	vtrunc.f32 v15;
	v30 =	vld.idx.msk [tilespmem:v37+s4+$0x0], $0xffff  }
.LBB2_9:
0xbf: {  	s29 =	sadd.s32 $0x8, s29;
	v36 =	vcvt.f32.s32 v36;
	v37 =	vtrunc.f32 v16;
	s30 =	sadd.s32 $0x400, s30;
	v38 =	vld.idx.msk [tilespmem:v9+s4+$0x0], $0xffff  }
0xc0: {  	v31 =	vcvt.f32.s32 v31;
	v34 =	vcvt.f32.s32 v34;
	s0 =	sand.u32 $0x380, s29;
	s31 =	sand.u32 $0x3C00, s30;
	p0 =	slt.u32 s29, $0x3F8;
	v39 =	vld.idx.msk [tilespmem:v7+s4+$0x0], $0xffff  }
0xc1: {  	v40 =	vcvt.f32.s32 v33;
	v9 =	vcvt.f32.s32 v35;
	s31 =	sor.u32 s0, s31;
	v33 =	vld.idx.msk [tilespmem:v8+s4+$0x0], $0xffff  }
0xc2: {  	v7 =	vcvt.f32.s32 v32;
	v21 =	vmul.f32 v21, v29;
	v35 =	vld [tilespmem:s31+$0x4270]  }
0xc3: {  	v10 =	vmul.f32 v0, v10;
	v0 =	vmov v24;
	v8 =	vcvt.f32.s32 v37;
	v29 =	vld [tilespmem:s31+$0x4200]  }
0xc4: {  	v11 =	vmul.f32 v1, v11;
	v13 =	vmul.f32 v2, v13;
	v1 =	vmovc v23;
	v21 =	vadd.f32 v21, v30;
	v24 =	vld [tilespmem:s31+$0x4210]  }
0xc5: {  	v2 =	vmovc v22;
	v10 =	vadd.f32 v10, v27;
	v27 =	vmul.f32 v3, v14;
	v30 =	vmul.f32 v4, v18;
	v23 =	vld [tilespmem:s31+$0x4220]  }
0xc6: {  	v32 =	vmul.f32 v6, v20;
	v11 =	vadd.f32 v11, v26;
	v26 =	vmul.f32 v5, v17;
	v14 =	vld [tilespmem:s31+$0x4230];
	[tilespmem:s28+$0xC270] =	vst v21  }
0xc7: {  	v3 =	vmovc v19;
	v17 =	vld [tilespmem:s31+$0x4240];
	v18 =	vmul.f32 $4.250000000e+01, v35;
	[tilespmem:s26+$0xC200] =	vst v10;
	v10 =	vadd.f32 v13, v25;
	v13 =	vadd.f32 v27, v28  }
0xc8: {  	v4 =	vmovc v15;
	v22 =	vadd.f32 v26, v39;
	v21 =	vadd.f32 v30, v38;
	v19 =	vmul.f32 $4.250000000e+01, v29;
	v20 =	vld [tilespmem:s31+$0x4250];
	[tilespmem:s26+$0xC210] =	vst v11  }
0xc9: {  	v6 =	vmovc v16;
	v5 =	vmovc v12;
	v11 =	vmul.f32 $4.250000000e+01, v24;
	v15 =	vld [tilespmem:s31+$0x4260];
	v18 =	vadd.f32 $1.275000000e+02, v18;
	[tilespmem:s26+$0xC220] =	vst v10;
	v24 =	vadd.f32 v32, v33  }
0xca: {  	v12 =	vadd.f32 $1.275000000e+02, v19;
	v16 =	vmul.f32 $4.250000000e+01, v23;
	v10 =	vld.idx.msk [tilespmem:v36+s16+$0x0], $0xffff;
	[tilespmem:s26+$0xC230] =	vst v13  }
0xcb: {  	v19 =	vadd.f32 $1.275000000e+02, v11;
	v14 =	vmul.f32 $4.250000000e+01, v14;
	v13 =	vmax.f32 v18, $0.0e+00;
	v11 =	vld.idx.msk [tilespmem:v31+s16+$0x0], $0xffff;
	[tilespmem:s26+$0xC240] =	vst v21  }
0xcc: {  	v16 =	vadd.f32 $1.275000000e+02, v16;
	v17 =	vmul.f32 $4.250000000e+01, v17;
	v21 =	vmin.f32 v13, $2.550000000e+02;
	v13 =	vld.idx.msk [tilespmem:v34+s16+$0x0], $0xffff;
	[tilespmem:s26+$0xC250] =	vst v22  }
0xcd: {  	v22 =	vadd.f32 $1.275000000e+02, v14;
	v20 =	vmul.f32 $4.250000000e+01, v20;
	v18 =	vtrunc.f32 v21;
	v14 =	vld.idx.msk [tilespmem:v40+s16+$0x0], $0xffff;
	[tilespmem:s26+$0xC260] =	vst v24;
	s26 =	smov.u32 s28;
	s28 =	smov.u32 s31  }
0xce: {  	v23 =	vadd.f32 $1.275000000e+02, v17;
	v15 =	vmul.f32 $4.250000000e+01, v15;
	v30 =	vcvt.f32.s32 v18;
	v18 =	vld.idx.msk [tilespmem:v9+s16+$0x0], $0xffff  }
0xcf: {  	v12 =	vmax.f32 v12, $0.0e+00;
	v19 =	vmax.f32 v19, $0.0e+00;
	v25 =	vadd.f32 $1.275000000e+02, v20;
	v17 =	vld.idx.msk [tilespmem:v7+s16+$0x0], $0xffff  }
0xd0: {  	v16 =	vmax.f32 v16, $0.0e+00;
	v28 =	vmax.f32 v22, $0.0e+00;
	v15 =	vadd.f32 $1.275000000e+02, v15;
	v20 =	vld.idx.msk [tilespmem:v8+s16+$0x0], $0xffff  }
0xd1: {  	v24 =	vmin.f32 v12, $2.550000000e+02;
	v12 =	vmax.f32 v23, $0.0e+00;
	v25 =	vmax.f32 v25, $0.0e+00;
	v27 =	vld.idx.msk [tilespmem:v36+s4+$0x0], $0xffff  }
.Ltmp6:
0xd2: {  	v22 =	vmin.f32 v16, $2.550000000e+02;
	v23 =	vmin.f32 v19, $2.550000000e+02;
	v16 =	vmax.f32 v15, $0.0e+00;
	v26 =	vld.idx.msk [tilespmem:v31+s4+$0x0], $0xffff;
	(pc) =	sbr.rel @p0 .LBB2_9-.Ltmp6, $4  }
0xd3: {  	v19 =	vmin.f32 v28, $2.550000000e+02;
	v15 =	vmin.f32 v12, $2.550000000e+02;
	v12 =	vmin.f32 v25, $2.550000000e+02;
	v25 =	vld.idx.msk [tilespmem:v34+s4+$0x0], $0xffff  }
0xd4: {  	v36 =	vtrunc.f32 v24;
	v31 =	vtrunc.f32 v23;
	v16 =	vmin.f32 v16, $2.550000000e+02;
	v29 =	vld.idx.msk [tilespmem:v30+s16+$0x0], $0xffff  }
0xd5: {  	v33 =	vtrunc.f32 v19;
	v34 =	vtrunc.f32 v22;
	v28 =	vld.idx.msk [tilespmem:v40+s4+$0x0], $0xffff  }
0xd6: {  	v35 =	vtrunc.f32 v15;
	v32 =	vtrunc.f32 v12;
	v30 =	vld.idx.msk [tilespmem:v30+s4+$0x0], $0xffff  }
0xd7: {  	_ = 	snop  }
0xd8: {  	v36 =	vcvt.f32.s32 v36  }
0xd9: {  	v31 =	vcvt.f32.s32 v31  }
0xda: {  	v34 =	vcvt.f32.s32 v34  }
0xdb: {  	v9 =	vld.idx.msk [tilespmem:v9+s4+$0x0], $0xffff;
	v33 =	vcvt.f32.s32 v33  }
0xdc: {  	v7 =	vld.idx.msk [tilespmem:v7+s4+$0x0], $0xffff;
	v35 =	vcvt.f32.s32 v35  }
0xdd: {  	v8 =	vld.idx.msk [tilespmem:v8+s4+$0x0], $0xffff;
	v32 =	vcvt.f32.s32 v32  }
0xde: {  	v38 =	vld.idx.msk [tilespmem:v36+s16+$0x0], $0xffff  }
0xdf: {  	v39 =	vld.idx.msk [tilespmem:v31+s16+$0x0], $0xffff  }
0xe0: {  	v0 =	vmul.f32 v0, v10;
	v43 =	vld.idx.msk [tilespmem:v34+s16+$0x0], $0xffff  }
0xe1: {  	v1 =	vmul.f32 v1, v11;
	v44 =	vld.idx.msk [tilespmem:v33+s16+$0x0], $0xffff  }
0xe2: {  	v37 =	vtrunc.f32 v16;
	v2 =	vmul.f32 v2, v13;
	v0 =	vadd.f32 v0, v27;
	v45 =	vld.idx.msk [tilespmem:v35+s16+$0x0], $0xffff  }
0xe3: {  	v3 =	vmul.f32 v3, v14;
	v37 =	vcvt.f32.s32 v37;
	v1 =	vadd.f32 v1, v26;
	v46 =	vld.idx.msk [tilespmem:v32+s16+$0x0], $0xffff  }
0xe4: {  	v21 =	vmul.f32 v21, v29;
	v48 =	vadd.f32 v2, v25;
	[tilespmem:s26+$0xC200] =	vst v0;
	v49 =	vld.idx.msk [tilespmem:v36+s4+$0x0], $0xffff  }
0xe5: {  	v4 =	vmul.f32 v4, v18;
	v3 =	vadd.f32 v3, v28;
	[tilespmem:s26+$0xC210] =	vst v1;
	v50 =	vld.idx.msk [tilespmem:v31+s4+$0x0], $0xffff  }
0xe6: {  	v5 =	vmul.f32 v5, v17;
	v21 =	vadd.f32 v21, v30;
	[tilespmem:s26+$0xC220] =	vst v48;
	v51 =	vld.idx.msk [tilespmem:v34+s4+$0x0], $0xffff  }
0xe7: {  	v6 =	vmul.f32 v6, v20;
	v4 =	vadd.f32 v4, v9;
	[tilespmem:s26+$0xC230] =	vst v3;
	v52 =	vld.idx.msk [tilespmem:v33+s4+$0x0], $0xffff  }
0xe8: {  	v5 =	vadd.f32 v5, v7;
	[tilespmem:s28+$0xC270] =	vst v21;
	v54 =	vld.idx.msk [tilespmem:v35+s4+$0x0], $0xffff;
	v53 =	vmul.f32 v24, v38  }
0xe9: {  	v6 =	vadd.f32 v6, v8;
	v47 =	vld.idx.msk [tilespmem:v37+s16+$0x0], $0xffff;
	[tilespmem:s26+$0xC240] =	vst v4;
	v55 =	vmul.f32 v23, v39  }
0xea: {  	v56 =	vld.idx.msk [tilespmem:v32+s4+$0x0], $0xffff;
	[tilespmem:s26+$0xC250] =	vst v5;
	v57 =	vmul.f32 v22, v43;
	v2 =	vadd.f32 v53, v49  }
0xeb: {  	[tilespmem:s26+$0xC260] =	vst v6;
	v58 =	vld.idx.msk [tilespmem:v37+s4+$0x0], $0xffff;
	v59 =	vmul.f32 v19, v44;
	v1 =	vadd.f32 v55, v50  }
0xec: {  	v60 =	vmul.f32 v15, v45;
	v0 =	vadd.f32 v57, v51;
	[tilespmem:s28+$0xC200] =	vst v2  }
0xed: {  	v61 =	vmul.f32 v12, v46;
	v3 =	vadd.f32 v59, v52;
	[tilespmem:s28+$0xC210] =	vst v1  }
0xee: {  	p0 =	seq.s32 s24, $0xF;
	v62 =	vmul.f32 v16, v47;
	v4 =	vadd.f32 v60, v54;
	[tilespmem:s28+$0xC220] =	vst v0  }
.Ltmp7:
0xef: {  	v63 =	vadd.f32 v61, v56;
	[tilespmem:s28+$0xC230] =	vst v3;
	(pc) =	sbr.rel @p0 .LBB2_12-.Ltmp7, $4  }
0xf0: {  	v1 =	vadd.f32 v62, v58;
	[tilespmem:s28+$0xC240] =	vst v4  }
0xf1: {  	s0 =	sshll.u32 s24, $0xC;
	[tilespmem:s28+$0xC250] =	vst v63  }
0xf2: {  	s0 =	sadd.s32 s0, s11;
	[tilespmem:s28+$0xC260] =	vst v1  }
0xf3: {  	[hbm4b:s0+s4] =	stream.linear.scatter [tilespmem:s22], [sflag:$0x4], $0x4000, $0x38;
	[tilespmem:$0x10200] =	vst v63  }
.Ltmp8:
0xf4: {  	(pc) =	sbr.rel .LBB2_2-.Ltmp8, $4  }
0xf5: {  	s0 =	sadd.s32 s25, s12  }
0xf6: {  	s0 =	sshrl.u32 s0, $0x3  }
0xf7: {  	s24 =	sadd.s32 $0x1, s24;
	s0 =	sadd.s32 s1, s0  }
0xf8: {  	[tilespmem:s15], [sflag:$0x2] =	stream.linear.gather [hbm4b:s0+s4], $0x4000, $0x38;
	[tilespmem:$0x10200] =	vst v63  }
.LBB2_13:
0xf9: {  	_ =	sfence.sel $0x180000  }
0xfa: {  	[bflag:$0x0] =	sbarrier.arrive $0xFFFF  }
0xfb: {  	_ =	strace $0x90000047  }
0xfc: {  	[bflag:$0x2] =	sbarrier.arrive $0xFFFF  }
0xfd: {  	p0 =	sne.s32 s3, $0x0;
	s0 =	rddreg [dreg:$0x3]  }
0xfe: {  	s0 =	sadd.s32 @!p0 $0x100000, s0  }
0xff: {  	[sflag:s0] =	ssyncadd.tile.s32 @!p0 $0x1;
	_ =	shalt  }
.Lfunc_end2:
_tile_overlayer_lowered:
.L_overlay_start_2:
0x100: {  	(tag) =	ssettag $0x2  }
0x101: {  	s0 =	rddreg [dreg:$0x0];
	s2 =	stileid.u32  }
0x102: {  	s1 =	rddreg [dreg:$0x1];
	p0 =	sne.s32 s2, $0x0  }
0x103: {  	s3 =	rddreg [dreg:$0x2];
	[bflag:$0x3] =	sbarrier.arrive $0xFFFF;
	s2 =	simm.s32 @!p0 $0x1C05  }
0x104: {  	[timem:s3], [sflag:s2] =	dma.local @!p0 [hbm:s0], s1  }
0x105: {  	s0 =	simm.s32 @!p0 $0x5  }
0x106: {  	_ =	swait.ge @!p0 [sflag:s0], s1  }
0x107: {  	s1 =	ssub.s32 @!p0 $0x0, s1;
	[sflag:s0] =	ssyncset.done @!p0 $0x0  }
0x108: {  	[sflag:s0] =	ssyncadd.s32 @!p0 s1  }
0x109: {  	[bflag:$0x3] =	sbarrier.arrive $0xFFFF  }
0x10a: {  	_ =	shalt  }

</sc_bundles>
